<compile_context>
chip_gen: v7x
topology: tpu7x:2x2x1
jax: 0.10.2.dev20260603
libtpu: 0.0.44.dev20260713+nightly
codegen_flags: <defaults>
</compile_context>

<pallas_src>
import functools

import jax
import jax.numpy as jnp
from jax import lax
from jax.experimental import pallas as pl
from jax.experimental.pallas import tpu as pltpu
from jax.experimental.pallas import tpu_sc as plsc

D_VOCAB = 100000
D_MODEL = 128
BATCH = 4096
POS = 200

_L = 128
_B = BATCH * POS
_ROWS = _B // _L
_NW = 32
_ROWS_PER_W = _ROWS // _NW
_CH = 2
_NBUF = 2
_NCH = _ROWS_PER_W // _CH
_G = _NCH // _NBUF

_mesh = plsc.VectorSubcoreMesh(core_axis_name="c", subcore_axis_name="s")


@functools.partial(
    pl.kernel,
    mesh=_mesh,
    out_type=jax.ShapeDtypeStruct((_ROWS, _L, D_MODEL), jnp.float32),
    scratch_types=[
        pltpu.VMEM((_NBUF, _CH, _L), jnp.int32),
        pltpu.VMEM((_NBUF, _CH, _L, D_MODEL), jnp.float32),
        pltpu.SemaphoreType.DMA((_NBUF,)),
        pltpu.SemaphoreType.DMA((_NBUF,)),
    ],
)
def _embed(table_hbm, idx_hbm, out_hbm, idx_v, rows_v, gsem, osem):
    wid = lax.axis_index("s") * 2 + lax.axis_index("c")
    row0 = wid * _ROWS_PER_W

    def fire_gathers(c, b):
        base = row0 + c * _CH
        pltpu.sync_copy(idx_hbm.at[pl.ds(base, _CH)], idx_v.at[b])
        return [
            pltpu.async_copy(table_hbm.at[idx_v.at[b, j]], rows_v.at[b, j],
                             gsem.at[b])
            for j in range(_CH)
        ]

    def drain_fire_out(c, b, gathers):
        base = row0 + c * _CH
        for j, g in enumerate(gathers):
            g.wait()
            pltpu.async_copy(rows_v.at[b, j], out_hbm.at[base + j],
                             osem.at[b])

    def wait_out(c, b):
        base = row0 + c * _CH
        for j in range(_CH):
            pltpu.make_async_copy(rows_v.at[b, j], out_hbm.at[base + j],
                                  osem.at[b]).wait()

    pending = [fire_gathers(b, b) for b in range(_NBUF)]
    for b in range(_NBUF):
        drain_fire_out(b, b, pending[b])

    def group(g, carry):
        pending = []
        for b in range(_NBUF):
            c = g * _NBUF + b
            wait_out(c - _NBUF, b)
            pending.append(fire_gathers(c, b))
        for b in range(_NBUF):
            drain_fire_out(g * _NBUF + b, b, pending[b])
        return carry

    lax.fori_loop(1, _G, group, 0)

    for b in range(_NBUF):
        wait_out((_G - 1) * _NBUF + b, b)


def kernel(tokens, W_E):
    idx = tokens.reshape(_ROWS, _L)
    out = _embed(W_E, idx)
    return out.reshape(BATCH, POS, D_MODEL)

# --- scband reference (transcript-rebuilt; emitter-appended) ---
"""Pipeline reference for scband-embed-2877628088718 (READ-ONLY COPY).

The authoritative reference and input builder live on the scoring server;
editing this copy changes nothing except your own understanding.
"""

import jax, jax.numpy as jnp
import numpy as np

D_VOCAB = 100000
D_MODEL = 128
BATCH = 4096
POS = 200

def setup_inputs(seed: int = 0) -> dict:
    key = jax.random.key(seed)
    k_tok, k_we = jax.random.split(key)
    tokens = jax.random.randint(k_tok, (BATCH, POS), 0, D_VOCAB, dtype=jnp.int64 if jax.config.read('jax_enable_x64') else jnp.int32)
    W_E = jax.random.normal(k_we, (D_VOCAB, D_MODEL), dtype=jnp.float32) * 0.02
    return {"tokens": tokens, "W_E": W_E}

def reference(tokens, W_E):
    # Embed.forward: return self.W_E[tokens]
    return jnp.take(W_E, tokens, axis=0)

if __name__ == "__main__":
    import jax
    _d = setup_inputs()
    print(jax.jit(kernel)(*tuple(_d.values())))

</pallas_src>

<mosaic_0001>
#map = affine_map<(d0, d1) -> (0, 0)>
#map1 = affine_map<(d0, d1) -> (0, 0, 0)>
module attributes {stable_mosaic.version = 14 : i64} {
  func.func @_embed(%arg0: i32, %arg1: i32, %arg2: memref<100000x128xf32, #tpu.memory_space<hbm>>, %arg3: memref<6400x128xi32, #tpu.memory_space<hbm>>, %arg4: memref<6400x128x128xf32, #tpu.memory_space<hbm>>, %arg5: memref<2x2x128xi32, #tpu.memory_space<vmem>>, %arg6: memref<2x2x128x128xf32, #tpu.memory_space<vmem>>, %arg7: memref<2x!tpu.dma_semaphore, #tpu.memory_space<semaphore_mem>>, %arg8: memref<2x!tpu.dma_semaphore, #tpu.memory_space<semaphore_mem>>) attributes {dimension_semantics = [#tpu.dimension_semantics<core_parallel>, #tpu.dimension_semantics<subcore_parallel>], iteration_bounds = array<i64: 2, 16>, scalar_prefetch = 0 : i64, scratch_operands = 4 : i64, tpu.core_type = #tpu.core_type<sc_vector_subcore>, window_params = [{transform_indices = #map}, {transform_indices = #map}, {transform_indices = #map1}]} {
    %mul3A = arith.constant 2 : i32
    %mul3A_0 = arith.muli %arg1, %mul3A : i32
    %add3A = arith.addi %mul3A_0, %arg0 : i32
    %mul3A_1 = arith.constant 200 : i32
    %mul3A_2 = arith.muli %add3A, %mul3A_1 : i32
    %add3A_3 = arith.constant 0 : i32
    %add3A_4 = arith.addi %mul3A_2, %add3A_3 : i32
    %run_scoped3A = arith.constant 0 : i32
    "tpu.region"() ({
      %run_scoped3A_339 = tpu.sem_alloc : memref<!tpu.dma_semaphore, #tpu.memory_space<semaphore_mem>>
      %dma_start3A_340 = arith.constant 0 : i32
      %dma_start3A_341 = arith.constant 0 : i32
      %dma_start3A_342 = tpu.memref_slice %arg5[%run_scoped3A, %dma_start3A_340, %dma_start3A_341] : memref<2x2x128xi32, #tpu.memory_space<vmem>> -> memref<1x2x128xi32, #tpu.memory_space<vmem>>
      %dma_start3A_343 = tpu.memref_squeeze %dma_start3A_342 : memref<1x2x128xi32, #tpu.memory_space<vmem>> -> memref<2x128xi32, #tpu.memory_space<vmem>>
      %dma_start3A_344 = arith.constant 0 : i32
      %dma_start3A_345 = tpu.memref_slice %arg3[%add3A_4, %dma_start3A_344] : memref<6400x128xi32, #tpu.memory_space<hbm>> -> memref<2x128xi32, #tpu.memory_space<hbm>>
      %dma_start3A_346 = arith.constant 0 : i32
      %dma_start3A_347 = arith.constant 0 : i32
      %dma_start3A_348 = tpu.memref_slice %arg5[%run_scoped3A, %dma_start3A_346, %dma_start3A_347] : memref<2x2x128xi32, #tpu.memory_space<vmem>> -> memref<1x2x128xi32, #tpu.memory_space<vmem>>
      %dma_start3A_349 = tpu.memref_squeeze %dma_start3A_348 : memref<1x2x128xi32, #tpu.memory_space<vmem>> -> memref<2x128xi32, #tpu.memory_space<vmem>>
      %dma_start3A_350 = arith.constant 0 : i32
      %dma_start3A_351 = tpu.memref_slice %arg3[%add3A_4, %dma_start3A_350] : memref<6400x128xi32, #tpu.memory_space<hbm>> -> memref<2x128xi32, #tpu.memory_space<hbm>>
      tpu.enqueue_dma source(%dma_start3A_351 : memref<2x128xi32, #tpu.memory_space<hbm>>) target(%dma_start3A_349 : memref<2x128xi32, #tpu.memory_space<vmem>>) target_semaphore(%run_scoped3A_339 : memref<!tpu.dma_semaphore, #tpu.memory_space<semaphore_mem>>)
      %dma_wait3A_352 = arith.constant 0 : i32
      %dma_wait3A_353 = arith.constant 0 : i32
      %dma_wait3A_354 = tpu.memref_slice %arg5[%run_scoped3A, %dma_wait3A_352, %dma_wait3A_353] : memref<2x2x128xi32, #tpu.memory_space<vmem>> -> memref<1x2x128xi32, #tpu.memory_space<vmem>>
      %dma_wait3A_355 = tpu.memref_squeeze %dma_wait3A_354 : memref<1x2x128xi32, #tpu.memory_space<vmem>> -> memref<2x128xi32, #tpu.memory_space<vmem>>
      %dma_wait3A_356 = arith.constant 0 : i32
      %dma_wait3A_357 = tpu.memref_slice %arg3[%add3A_4, %dma_wait3A_356] : memref<6400x128xi32, #tpu.memory_space<hbm>> -> memref<2x128xi32, #tpu.memory_space<hbm>>
      %dma_wait3A_358 = arith.constant 0 : i32
      %dma_wait3A_359 = arith.constant 0 : i32
      %dma_wait3A_360 = tpu.memref_slice %arg5[%run_scoped3A, %dma_wait3A_358, %dma_wait3A_359] : memref<2x2x128xi32, #tpu.memory_space<vmem>> -> memref<1x2x128xi32, #tpu.memory_space<vmem>>
      %dma_wait3A_361 = tpu.memref_squeeze %dma_wait3A_360 : memref<1x2x128xi32, #tpu.memory_space<vmem>> -> memref<2x128xi32, #tpu.memory_space<vmem>>
      %dma_wait3A_362 = arith.constant 0 : i32
      %dma_wait3A_363 = tpu.memref_slice %arg3[%add3A_4, %dma_wait3A_362] : memref<6400x128xi32, #tpu.memory_space<hbm>> -> memref<2x128xi32, #tpu.memory_space<hbm>>
      tpu.wait_dma2 semaphore(%run_scoped3A_339 : memref<!tpu.dma_semaphore, #tpu.memory_space<semaphore_mem>>) src(%dma_wait3A_363 : memref<2x128xi32, #tpu.memory_space<hbm>>) dst(%dma_wait3A_361 : memref<2x128xi32, #tpu.memory_space<vmem>>)
      tpu.yield
    }) : () -> ()
    %dma_start3A = arith.constant 0 : i32
    %dma_start3A_5 = arith.constant 0 : i32
    %dma_start3A_6 = arith.constant 0 : i32
    %dma_start3A_7 = arith.constant 0 : i32
    %dma_start3A_8 = arith.constant 0 : i32
    %dma_start3A_9 = arith.constant 0 : i32
    %dma_start3A_10 = arith.constant 0 : i32
    %dma_start3A_11 = tpu.memref_slice %arg6[%dma_start3A_6, %dma_start3A_7, %dma_start3A_9, %dma_start3A_10] : memref<2x2x128x128xf32, #tpu.memory_space<vmem>> -> memref<1x1x128x128xf32, #tpu.memory_space<vmem>>
    %dma_start3A_12 = tpu.memref_squeeze %dma_start3A_11 : memref<1x1x128x128xf32, #tpu.memory_space<vmem>> -> memref<128x128xf32, #tpu.memory_space<vmem>>
    %dma_start3A_13 = arith.constant 0 : i32
    %dma_start3A_14 = tpu.memref_slice %arg5[%dma_start3A, %dma_start3A_5, %dma_start3A_13] : memref<2x2x128xi32, #tpu.memory_space<vmem>> -> memref<1x1x128xi32, #tpu.memory_space<vmem>>
    %dma_start3A_15 = tpu.memref_squeeze %dma_start3A_14 : memref<1x1x128xi32, #tpu.memory_space<vmem>> -> memref<128xi32, #tpu.memory_space<vmem>>
    %dma_start3A_16 = arith.constant 0 : i32
    %dma_start3A_17 = arith.constant 0 : i32
    %dma_start3A_18 = tpu.memref_slice %arg2[%dma_start3A_16, %dma_start3A_17] : memref<100000x128xf32, #tpu.memory_space<hbm>> -> memref<100000x128xf32, #tpu.memory_space<hbm>>
    %dma_start3A_19 = tpu.memref_slice %arg7[%dma_start3A_8] : memref<2x!tpu.dma_semaphore, #tpu.memory_space<semaphore_mem>> -> memref<1x!tpu.dma_semaphore, #tpu.memory_space<semaphore_mem>>
    %dma_start3A_20 = tpu.memref_squeeze %dma_start3A_19 : memref<1x!tpu.dma_semaphore, #tpu.memory_space<semaphore_mem>> -> memref<!tpu.dma_semaphore, #tpu.memory_space<semaphore_mem>>
    tpu.enqueue_indirect_dma source(%dma_start3A_18 : memref<100000x128xf32, #tpu.memory_space<hbm>>) target(%dma_start3A_12 : memref<128x128xf32, #tpu.memory_space<vmem>>) offsets(%dma_start3A_15 : memref<128xi32, #tpu.memory_space<vmem>>) semaphore(%dma_start3A_20 : memref<!tpu.dma_semaphore, #tpu.memory_space<semaphore_mem>>)
    %dma_start3A_21 = arith.constant 0 : i32
    %dma_start3A_22 = arith.constant 1 : i32
    %dma_start3A_23 = arith.constant 0 : i32
    %dma_start3A_24 = arith.constant 1 : i32
    %dma_start3A_25 = arith.constant 0 : i32
    %dma_start3A_26 = arith.constant 0 : i32
    %dma_start3A_27 = arith.constant 0 : i32
    %dma_start3A_28 = tpu.memref_slice %arg6[%dma_start3A_23, %dma_start3A_24, %dma_start3A_26, %dma_start3A_27] : memref<2x2x128x128xf32, #tpu.memory_space<vmem>> -> memref<1x1x128x128xf32, #tpu.memory_space<vmem>>
    %dma_start3A_29 = tpu.memref_squeeze %dma_start3A_28 : memref<1x1x128x128xf32, #tpu.memory_space<vmem>> -> memref<128x128xf32, #tpu.memory_space<vmem>>
    %dma_start3A_30 = arith.constant 0 : i32
    %dma_start3A_31 = tpu.memref_slice %arg5[%dma_start3A_21, %dma_start3A_22, %dma_start3A_30] : memref<2x2x128xi32, #tpu.memory_space<vmem>> -> memref<1x1x128xi32, #tpu.memory_space<vmem>>
    %dma_start3A_32 = tpu.memref_squeeze %dma_start3A_31 : memref<1x1x128xi32, #tpu.memory_space<vmem>> -> memref<128xi32, #tpu.memory_space<vmem>>
    %dma_start3A_33 = arith.constant 0 : i32
    %dma_start3A_34 = arith.constant 0 : i32
    %dma_start3A_35 = tpu.memref_slice %arg2[%dma_start3A_33, %dma_start3A_34] : memref<100000x128xf32, #tpu.memory_space<hbm>> -> memref<100000x128xf32, #tpu.memory_space<hbm>>
    %dma_start3A_36 = tpu.memref_slice %arg7[%dma_start3A_25] : memref<2x!tpu.dma_semaphore, #tpu.memory_space<semaphore_mem>> -> memref<1x!tpu.dma_semaphore, #tpu.memory_space<semaphore_mem>>
    %dma_start3A_37 = tpu.memref_squeeze %dma_start3A_36 : memref<1x!tpu.dma_semaphore, #tpu.memory_space<semaphore_mem>> -> memref<!tpu.dma_semaphore, #tpu.memory_space<semaphore_mem>>
    tpu.enqueue_indirect_dma source(%dma_start3A_35 : memref<100000x128xf32, #tpu.memory_space<hbm>>) target(%dma_start3A_29 : memref<128x128xf32, #tpu.memory_space<vmem>>) offsets(%dma_start3A_32 : memref<128xi32, #tpu.memory_space<vmem>>) semaphore(%dma_start3A_37 : memref<!tpu.dma_semaphore, #tpu.memory_space<semaphore_mem>>)
    %add3A_38 = arith.constant 2 : i32
    %add3A_39 = arith.addi %mul3A_2, %add3A_38 : i32
    %run_scoped3A_40 = arith.constant 1 : i32
    "tpu.region"() ({
      %run_scoped3A_339 = tpu.sem_alloc : memref<!tpu.dma_semaphore, #tpu.memory_space<semaphore_mem>>
      %dma_start3A_340 = arith.constant 0 : i32
      %dma_start3A_341 = arith.constant 0 : i32
      %dma_start3A_342 = tpu.memref_slice %arg5[%run_scoped3A_40, %dma_start3A_340, %dma_start3A_341] : memref<2x2x128xi32, #tpu.memory_space<vmem>> -> memref<1x2x128xi32, #tpu.memory_space<vmem>>
      %dma_start3A_343 = tpu.memref_squeeze %dma_start3A_342 : memref<1x2x128xi32, #tpu.memory_space<vmem>> -> memref<2x128xi32, #tpu.memory_space<vmem>>
      %dma_start3A_344 = arith.constant 0 : i32
      %dma_start3A_345 = tpu.memref_slice %arg3[%add3A_39, %dma_start3A_344] : memref<6400x128xi32, #tpu.memory_space<hbm>> -> memref<2x128xi32, #tpu.memory_space<hbm>>
      %dma_start3A_346 = arith.constant 0 : i32
      %dma_start3A_347 = arith.constant 0 : i32
      %dma_start3A_348 = tpu.memref_slice %arg5[%run_scoped3A_40, %dma_start3A_346, %dma_start3A_347] : memref<2x2x128xi32, #tpu.memory_space<vmem>> -> memref<1x2x128xi32, #tpu.memory_space<vmem>>
      %dma_start3A_349 = tpu.memref_squeeze %dma_start3A_348 : memref<1x2x128xi32, #tpu.memory_space<vmem>> -> memref<2x128xi32, #tpu.memory_space<vmem>>
      %dma_start3A_350 = arith.constant 0 : i32
      %dma_start3A_351 = tpu.memref_slice %arg3[%add3A_39, %dma_start3A_350] : memref<6400x128xi32, #tpu.memory_space<hbm>> -> memref<2x128xi32, #tpu.memory_space<hbm>>
      tpu.enqueue_dma source(%dma_start3A_351 : memref<2x128xi32, #tpu.memory_space<hbm>>) target(%dma_start3A_349 : memref<2x128xi32, #tpu.memory_space<vmem>>) target_semaphore(%run_scoped3A_339 : memref<!tpu.dma_semaphore, #tpu.memory_space<semaphore_mem>>)
      %dma_wait3A_352 = arith.constant 0 : i32
      %dma_wait3A_353 = arith.constant 0 : i32
      %dma_wait3A_354 = tpu.memref_slice %arg5[%run_scoped3A_40, %dma_wait3A_352, %dma_wait3A_353] : memref<2x2x128xi32, #tpu.memory_space<vmem>> -> memref<1x2x128xi32, #tpu.memory_space<vmem>>
      %dma_wait3A_355 = tpu.memref_squeeze %dma_wait3A_354 : memref<1x2x128xi32, #tpu.memory_space<vmem>> -> memref<2x128xi32, #tpu.memory_space<vmem>>
      %dma_wait3A_356 = arith.constant 0 : i32
      %dma_wait3A_357 = tpu.memref_slice %arg3[%add3A_39, %dma_wait3A_356] : memref<6400x128xi32, #tpu.memory_space<hbm>> -> memref<2x128xi32, #tpu.memory_space<hbm>>
      %dma_wait3A_358 = arith.constant 0 : i32
      %dma_wait3A_359 = arith.constant 0 : i32
      %dma_wait3A_360 = tpu.memref_slice %arg5[%run_scoped3A_40, %dma_wait3A_358, %dma_wait3A_359] : memref<2x2x128xi32, #tpu.memory_space<vmem>> -> memref<1x2x128xi32, #tpu.memory_space<vmem>>
      %dma_wait3A_361 = tpu.memref_squeeze %dma_wait3A_360 : memref<1x2x128xi32, #tpu.memory_space<vmem>> -> memref<2x128xi32, #tpu.memory_space<vmem>>
      %dma_wait3A_362 = arith.constant 0 : i32
      %dma_wait3A_363 = tpu.memref_slice %arg3[%add3A_39, %dma_wait3A_362] : memref<6400x128xi32, #tpu.memory_space<hbm>> -> memref<2x128xi32, #tpu.memory_space<hbm>>
      tpu.wait_dma2 semaphore(%run_scoped3A_339 : memref<!tpu.dma_semaphore, #tpu.memory_space<semaphore_mem>>) src(%dma_wait3A_363 : memref<2x128xi32, #tpu.memory_space<hbm>>) dst(%dma_wait3A_361 : memref<2x128xi32, #tpu.memory_space<vmem>>)
      tpu.yield
    }) : () -> ()
    %dma_start3A_41 = arith.constant 1 : i32
    %dma_start3A_42 = arith.constant 0 : i32
    %dma_start3A_43 = arith.constant 1 : i32
    %dma_start3A_44 = arith.constant 0 : i32
    %dma_start3A_45 = arith.constant 1 : i32
    %dma_start3A_46 = arith.constant 0 : i32
    %dma_start3A_47 = arith.constant 0 : i32
    %dma_start3A_48 = tpu.memref_slice %arg6[%dma_start3A_43, %dma_start3A_44, %dma_start3A_46, %dma_start3A_47] : memref<2x2x128x128xf32, #tpu.memory_space<vmem>> -> memref<1x1x128x128xf32, #tpu.memory_space<vmem>>
    %dma_start3A_49 = tpu.memref_squeeze %dma_start3A_48 : memref<1x1x128x128xf32, #tpu.memory_space<vmem>> -> memref<128x128xf32, #tpu.memory_space<vmem>>
    %dma_start3A_50 = arith.constant 0 : i32
    %dma_start3A_51 = tpu.memref_slice %arg5[%dma_start3A_41, %dma_start3A_42, %dma_start3A_50] : memref<2x2x128xi32, #tpu.memory_space<vmem>> -> memref<1x1x128xi32, #tpu.memory_space<vmem>>
    %dma_start3A_52 = tpu.memref_squeeze %dma_start3A_51 : memref<1x1x128xi32, #tpu.memory_space<vmem>> -> memref<128xi32, #tpu.memory_space<vmem>>
    %dma_start3A_53 = arith.constant 0 : i32
    %dma_start3A_54 = arith.constant 0 : i32
    %dma_start3A_55 = tpu.memref_slice %arg2[%dma_start3A_53, %dma_start3A_54] : memref<100000x128xf32, #tpu.memory_space<hbm>> -> memref<100000x128xf32, #tpu.memory_space<hbm>>
    %dma_start3A_56 = tpu.memref_slice %arg7[%dma_start3A_45] : memref<2x!tpu.dma_semaphore, #tpu.memory_space<semaphore_mem>> -> memref<1x!tpu.dma_semaphore, #tpu.memory_space<semaphore_mem>>
    %dma_start3A_57 = tpu.memref_squeeze %dma_start3A_56 : memref<1x!tpu.dma_semaphore, #tpu.memory_space<semaphore_mem>> -> memref<!tpu.dma_semaphore, #tpu.memory_space<semaphore_mem>>
    tpu.enqueue_indirect_dma source(%dma_start3A_55 : memref<100000x128xf32, #tpu.memory_space<hbm>>) target(%dma_start3A_49 : memref<128x128xf32, #tpu.memory_space<vmem>>) offsets(%dma_start3A_52 : memref<128xi32, #tpu.memory_space<vmem>>) semaphore(%dma_start3A_57 : memref<!tpu.dma_semaphore, #tpu.memory_space<semaphore_mem>>)
    %dma_start3A_58 = arith.constant 1 : i32
    %dma_start3A_59 = arith.constant 1 : i32
    %dma_start3A_60 = arith.constant 1 : i32
    %dma_start3A_61 = arith.constant 1 : i32
    %dma_start3A_62 = arith.constant 1 : i32
    %dma_start3A_63 = arith.constant 0 : i32
    %dma_start3A_64 = arith.constant 0 : i32
    %dma_start3A_65 = tpu.memref_slice %arg6[%dma_start3A_60, %dma_start3A_61, %dma_start3A_63, %dma_start3A_64] : memref<2x2x128x128xf32, #tpu.memory_space<vmem>> -> memref<1x1x128x128xf32, #tpu.memory_space<vmem>>
    %dma_start3A_66 = tpu.memref_squeeze %dma_start3A_65 : memref<1x1x128x128xf32, #tpu.memory_space<vmem>> -> memref<128x128xf32, #tpu.memory_space<vmem>>
    %dma_start3A_67 = arith.constant 0 : i32
    %dma_start3A_68 = tpu.memref_slice %arg5[%dma_start3A_58, %dma_start3A_59, %dma_start3A_67] : memref<2x2x128xi32, #tpu.memory_space<vmem>> -> memref<1x1x128xi32, #tpu.memory_space<vmem>>
    %dma_start3A_69 = tpu.memref_squeeze %dma_start3A_68 : memref<1x1x128xi32, #tpu.memory_space<vmem>> -> memref<128xi32, #tpu.memory_space<vmem>>
    %dma_start3A_70 = arith.constant 0 : i32
    %dma_start3A_71 = arith.constant 0 : i32
    %dma_start3A_72 = tpu.memref_slice %arg2[%dma_start3A_70, %dma_start3A_71] : memref<100000x128xf32, #tpu.memory_space<hbm>> -> memref<100000x128xf32, #tpu.memory_space<hbm>>
    %dma_start3A_73 = tpu.memref_slice %arg7[%dma_start3A_62] : memref<2x!tpu.dma_semaphore, #tpu.memory_space<semaphore_mem>> -> memref<1x!tpu.dma_semaphore, #tpu.memory_space<semaphore_mem>>
    %dma_start3A_74 = tpu.memref_squeeze %dma_start3A_73 : memref<1x!tpu.dma_semaphore, #tpu.memory_space<semaphore_mem>> -> memref<!tpu.dma_semaphore, #tpu.memory_space<semaphore_mem>>
    tpu.enqueue_indirect_dma source(%dma_start3A_72 : memref<100000x128xf32, #tpu.memory_space<hbm>>) target(%dma_start3A_66 : memref<128x128xf32, #tpu.memory_space<vmem>>) offsets(%dma_start3A_69 : memref<128xi32, #tpu.memory_space<vmem>>) semaphore(%dma_start3A_74 : memref<!tpu.dma_semaphore, #tpu.memory_space<semaphore_mem>>)
    %add3A_75 = arith.constant 0 : i32
    %add3A_76 = arith.addi %mul3A_2, %add3A_75 : i32
    %dma_wait3A = arith.constant 0 : i32
    %dma_wait3A_77 = arith.constant 0 : i32
    %dma_wait3A_78 = arith.constant 0 : i32
    %dma_wait3A_79 = arith.constant 0 : i32
    %dma_wait3A_80 = arith.constant 0 : i32
    %dma_wait3A_81 = arith.constant 0 : i32
    %dma_wait3A_82 = arith.constant 0 : i32
    %dma_wait3A_83 = tpu.memref_slice %arg6[%dma_wait3A_78, %dma_wait3A_79, %dma_wait3A_81, %dma_wait3A_82] : memref<2x2x128x128xf32, #tpu.memory_space<vmem>> -> memref<1x1x128x128xf32, #tpu.memory_space<vmem>>
    %dma_wait3A_84 = tpu.memref_squeeze %dma_wait3A_83 : memref<1x1x128x128xf32, #tpu.memory_space<vmem>> -> memref<128x128xf32, #tpu.memory_space<vmem>>
    %dma_wait3A_85 = arith.constant 0 : i32
    %dma_wait3A_86 = tpu.memref_slice %arg5[%dma_wait3A, %dma_wait3A_77, %dma_wait3A_85] : memref<2x2x128xi32, #tpu.memory_space<vmem>> -> memref<1x1x128xi32, #tpu.memory_space<vmem>>
    %dma_wait3A_87 = tpu.memref_squeeze %dma_wait3A_86 : memref<1x1x128xi32, #tpu.memory_space<vmem>> -> memref<128xi32, #tpu.memory_space<vmem>>
    %dma_wait3A_88 = arith.constant 0 : i32
    %dma_wait3A_89 = arith.constant 0 : i32
    %dma_wait3A_90 = tpu.memref_slice %arg2[%dma_wait3A_88, %dma_wait3A_89] : memref<100000x128xf32, #tpu.memory_space<hbm>> -> memref<100000x128xf32, #tpu.memory_space<hbm>>
    %dma_wait3A_91 = tpu.memref_slice %arg7[%dma_wait3A_80] : memref<2x!tpu.dma_semaphore, #tpu.memory_space<semaphore_mem>> -> memref<1x!tpu.dma_semaphore, #tpu.memory_space<semaphore_mem>>
    %dma_wait3A_92 = tpu.memref_squeeze %dma_wait3A_91 : memref<1x!tpu.dma_semaphore, #tpu.memory_space<semaphore_mem>> -> memref<!tpu.dma_semaphore, #tpu.memory_space<semaphore_mem>>
    tpu.wait_indirect_dma semaphore(%dma_wait3A_92 : memref<!tpu.dma_semaphore, #tpu.memory_space<semaphore_mem>>) src(%dma_wait3A_90 : memref<100000x128xf32, #tpu.memory_space<hbm>>) dst(%dma_wait3A_84 : memref<128x128xf32, #tpu.memory_space<vmem>>)
    %add3A_93 = arith.constant 0 : i32
    %add3A_94 = arith.addi %add3A_76, %add3A_93 : i32
    %dma_start3A_95 = arith.constant 0 : i32
    %dma_start3A_96 = arith.constant 0 : i32
    %dma_start3A_97 = arith.constant 0 : i32
    %dma_start3A_98 = arith.constant 0 : i32
    %dma_start3A_99 = arith.constant 0 : i32
    %dma_start3A_100 = tpu.memref_slice %arg6[%dma_start3A_95, %dma_start3A_96, %dma_start3A_98, %dma_start3A_99] : memref<2x2x128x128xf32, #tpu.memory_space<vmem>> -> memref<1x1x128x128xf32, #tpu.memory_space<vmem>>
    %dma_start3A_101 = tpu.memref_squeeze %dma_start3A_100 : memref<1x1x128x128xf32, #tpu.memory_space<vmem>> -> memref<128x128xf32, #tpu.memory_space<vmem>>
    %dma_start3A_102 = arith.constant 0 : i32
    %dma_start3A_103 = arith.constant 0 : i32
    %dma_start3A_104 = tpu.memref_slice %arg4[%add3A_94, %dma_start3A_102, %dma_start3A_103] : memref<6400x128x128xf32, #tpu.memory_space<hbm>> -> memref<1x128x128xf32, #tpu.memory_space<hbm>>
    %dma_start3A_105 = tpu.memref_squeeze %dma_start3A_104 : memref<1x128x128xf32, #tpu.memory_space<hbm>> -> memref<128x128xf32, #tpu.memory_space<hbm>>
    %dma_start3A_106 = tpu.memref_slice %arg8[%dma_start3A_97] : memref<2x!tpu.dma_semaphore, #tpu.memory_space<semaphore_mem>> -> memref<1x!tpu.dma_semaphore, #tpu.memory_space<semaphore_mem>>
    %dma_start3A_107 = tpu.memref_squeeze %dma_start3A_106 : memref<1x!tpu.dma_semaphore, #tpu.memory_space<semaphore_mem>> -> memref<!tpu.dma_semaphore, #tpu.memory_space<semaphore_mem>>
    %dma_start3A_108 = arith.constant 0 : i32
    %dma_start3A_109 = arith.constant 0 : i32
    %dma_start3A_110 = tpu.memref_slice %arg4[%add3A_94, %dma_start3A_108, %dma_start3A_109] : memref<6400x128x128xf32, #tpu.memory_space<hbm>> -> memref<1x128x128xf32, #tpu.memory_space<hbm>>
    %dma_start3A_111 = tpu.memref_squeeze %dma_start3A_110 : memref<1x128x128xf32, #tpu.memory_space<hbm>> -> memref<128x128xf32, #tpu.memory_space<hbm>>
    %dma_start3A_112 = arith.constant 0 : i32
    %dma_start3A_113 = arith.constant 0 : i32
    %dma_start3A_114 = tpu.memref_slice %arg6[%dma_start3A_95, %dma_start3A_96, %dma_start3A_112, %dma_start3A_113] : memref<2x2x128x128xf32, #tpu.memory_space<vmem>> -> memref<1x1x128x128xf32, #tpu.memory_space<vmem>>
    %dma_start3A_115 = tpu.memref_squeeze %dma_start3A_114 : memref<1x1x128x128xf32, #tpu.memory_space<vmem>> -> memref<128x128xf32, #tpu.memory_space<vmem>>
    tpu.enqueue_dma source(%dma_start3A_115 : memref<128x128xf32, #tpu.memory_space<vmem>>) target(%dma_start3A_111 : memref<128x128xf32, #tpu.memory_space<hbm>>) target_semaphore(%dma_start3A_107 : memref<!tpu.dma_semaphore, #tpu.memory_space<semaphore_mem>>)
    %dma_wait3A_116 = arith.constant 0 : i32
    %dma_wait3A_117 = arith.constant 1 : i32
    %dma_wait3A_118 = arith.constant 0 : i32
    %dma_wait3A_119 = arith.constant 1 : i32
    %dma_wait3A_120 = arith.constant 0 : i32
    %dma_wait3A_121 = arith.constant 0 : i32
    %dma_wait3A_122 = arith.constant 0 : i32
    %dma_wait3A_123 = tpu.memref_slice %arg6[%dma_wait3A_118, %dma_wait3A_119, %dma_wait3A_121, %dma_wait3A_122] : memref<2x2x128x128xf32, #tpu.memory_space<vmem>> -> memref<1x1x128x128xf32, #tpu.memory_space<vmem>>
    %dma_wait3A_124 = tpu.memref_squeeze %dma_wait3A_123 : memref<1x1x128x128xf32, #tpu.memory_space<vmem>> -> memref<128x128xf32, #tpu.memory_space<vmem>>
    %dma_wait3A_125 = arith.constant 0 : i32
    %dma_wait3A_126 = tpu.memref_slice %arg5[%dma_wait3A_116, %dma_wait3A_117, %dma_wait3A_125] : memref<2x2x128xi32, #tpu.memory_space<vmem>> -> memref<1x1x128xi32, #tpu.memory_space<vmem>>
    %dma_wait3A_127 = tpu.memref_squeeze %dma_wait3A_126 : memref<1x1x128xi32, #tpu.memory_space<vmem>> -> memref<128xi32, #tpu.memory_space<vmem>>
    %dma_wait3A_128 = arith.constant 0 : i32
    %dma_wait3A_129 = arith.constant 0 : i32
    %dma_wait3A_130 = tpu.memref_slice %arg2[%dma_wait3A_128, %dma_wait3A_129] : memref<100000x128xf32, #tpu.memory_space<hbm>> -> memref<100000x128xf32, #tpu.memory_space<hbm>>
    %dma_wait3A_131 = tpu.memref_slice %arg7[%dma_wait3A_120] : memref<2x!tpu.dma_semaphore, #tpu.memory_space<semaphore_mem>> -> memref<1x!tpu.dma_semaphore, #tpu.memory_space<semaphore_mem>>
    %dma_wait3A_132 = tpu.memref_squeeze %dma_wait3A_131 : memref<1x!tpu.dma_semaphore, #tpu.memory_space<semaphore_mem>> -> memref<!tpu.dma_semaphore, #tpu.memory_space<semaphore_mem>>
    tpu.wait_indirect_dma semaphore(%dma_wait3A_132 : memref<!tpu.dma_semaphore, #tpu.memory_space<semaphore_mem>>) src(%dma_wait3A_130 : memref<100000x128xf32, #tpu.memory_space<hbm>>) dst(%dma_wait3A_124 : memref<128x128xf32, #tpu.memory_space<vmem>>)
    %add3A_133 = arith.constant 1 : i32
    %add3A_134 = arith.addi %add3A_76, %add3A_133 : i32
    %dma_start3A_135 = arith.constant 0 : i32
    %dma_start3A_136 = arith.constant 1 : i32
    %dma_start3A_137 = arith.constant 0 : i32
    %dma_start3A_138 = arith.constant 0 : i32
    %dma_start3A_139 = arith.constant 0 : i32
    %dma_start3A_140 = tpu.memref_slice %arg6[%dma_start3A_135, %dma_start3A_136, %dma_start3A_138, %dma_start3A_139] : memref<2x2x128x128xf32, #tpu.memory_space<vmem>> -> memref<1x1x128x128xf32, #tpu.memory_space<vmem>>
    %dma_start3A_141 = tpu.memref_squeeze %dma_start3A_140 : memref<1x1x128x128xf32, #tpu.memory_space<vmem>> -> memref<128x128xf32, #tpu.memory_space<vmem>>
    %dma_start3A_142 = arith.constant 0 : i32
    %dma_start3A_143 = arith.constant 0 : i32
    %dma_start3A_144 = tpu.memref_slice %arg4[%add3A_134, %dma_start3A_142, %dma_start3A_143] : memref<6400x128x128xf32, #tpu.memory_space<hbm>> -> memref<1x128x128xf32, #tpu.memory_space<hbm>>
    %dma_start3A_145 = tpu.memref_squeeze %dma_start3A_144 : memref<1x128x128xf32, #tpu.memory_space<hbm>> -> memref<128x128xf32, #tpu.memory_space<hbm>>
    %dma_start3A_146 = tpu.memref_slice %arg8[%dma_start3A_137] : memref<2x!tpu.dma_semaphore, #tpu.memory_space<semaphore_mem>> -> memref<1x!tpu.dma_semaphore, #tpu.memory_space<semaphore_mem>>
    %dma_start3A_147 = tpu.memref_squeeze %dma_start3A_146 : memref<1x!tpu.dma_semaphore, #tpu.memory_space<semaphore_mem>> -> memref<!tpu.dma_semaphore, #tpu.memory_space<semaphore_mem>>
    %dma_start3A_148 = arith.constant 0 : i32
    %dma_start3A_149 = arith.constant 0 : i32
    %dma_start3A_150 = tpu.memref_slice %arg4[%add3A_134, %dma_start3A_148, %dma_start3A_149] : memref<6400x128x128xf32, #tpu.memory_space<hbm>> -> memref<1x128x128xf32, #tpu.memory_space<hbm>>
    %dma_start3A_151 = tpu.memref_squeeze %dma_start3A_150 : memref<1x128x128xf32, #tpu.memory_space<hbm>> -> memref<128x128xf32, #tpu.memory_space<hbm>>
    %dma_start3A_152 = arith.constant 0 : i32
    %dma_start3A_153 = arith.constant 0 : i32
    %dma_start3A_154 = tpu.memref_slice %arg6[%dma_start3A_135, %dma_start3A_136, %dma_start3A_152, %dma_start3A_153] : memref<2x2x128x128xf32, #tpu.memory_space<vmem>> -> memref<1x1x128x128xf32, #tpu.memory_space<vmem>>
    %dma_start3A_155 = tpu.memref_squeeze %dma_start3A_154 : memref<1x1x128x128xf32, #tpu.memory_space<vmem>> -> memref<128x128xf32, #tpu.memory_space<vmem>>
    tpu.enqueue_dma source(%dma_start3A_155 : memref<128x128xf32, #tpu.memory_space<vmem>>) target(%dma_start3A_151 : memref<128x128xf32, #tpu.memory_space<hbm>>) target_semaphore(%dma_start3A_147 : memref<!tpu.dma_semaphore, #tpu.memory_space<semaphore_mem>>)
    %add3A_156 = arith.constant 2 : i32
    %add3A_157 = arith.addi %mul3A_2, %add3A_156 : i32
    %dma_wait3A_158 = arith.constant 1 : i32
    %dma_wait3A_159 = arith.constant 0 : i32
    %dma_wait3A_160 = arith.constant 1 : i32
    %dma_wait3A_161 = arith.constant 0 : i32
    %dma_wait3A_162 = arith.constant 1 : i32
    %dma_wait3A_163 = arith.constant 0 : i32
    %dma_wait3A_164 = arith.constant 0 : i32
    %dma_wait3A_165 = tpu.memref_slice %arg6[%dma_wait3A_160, %dma_wait3A_161, %dma_wait3A_163, %dma_wait3A_164] : memref<2x2x128x128xf32, #tpu.memory_space<vmem>> -> memref<1x1x128x128xf32, #tpu.memory_space<vmem>>
    %dma_wait3A_166 = tpu.memref_squeeze %dma_wait3A_165 : memref<1x1x128x128xf32, #tpu.memory_space<vmem>> -> memref<128x128xf32, #tpu.memory_space<vmem>>
    %dma_wait3A_167 = arith.constant 0 : i32
    %dma_wait3A_168 = tpu.memref_slice %arg5[%dma_wait3A_158, %dma_wait3A_159, %dma_wait3A_167] : memref<2x2x128xi32, #tpu.memory_space<vmem>> -> memref<1x1x128xi32, #tpu.memory_space<vmem>>
    %dma_wait3A_169 = tpu.memref_squeeze %dma_wait3A_168 : memref<1x1x128xi32, #tpu.memory_space<vmem>> -> memref<128xi32, #tpu.memory_space<vmem>>
    %dma_wait3A_170 = arith.constant 0 : i32
    %dma_wait3A_171 = arith.constant 0 : i32
    %dma_wait3A_172 = tpu.memref_slice %arg2[%dma_wait3A_170, %dma_wait3A_171] : memref<100000x128xf32, #tpu.memory_space<hbm>> -> memref<100000x128xf32, #tpu.memory_space<hbm>>
    %dma_wait3A_173 = tpu.memref_slice %arg7[%dma_wait3A_162] : memref<2x!tpu.dma_semaphore, #tpu.memory_space<semaphore_mem>> -> memref<1x!tpu.dma_semaphore, #tpu.memory_space<semaphore_mem>>
    %dma_wait3A_174 = tpu.memref_squeeze %dma_wait3A_173 : memref<1x!tpu.dma_semaphore, #tpu.memory_space<semaphore_mem>> -> memref<!tpu.dma_semaphore, #tpu.memory_space<semaphore_mem>>
    tpu.wait_indirect_dma semaphore(%dma_wait3A_174 : memref<!tpu.dma_semaphore, #tpu.memory_space<semaphore_mem>>) src(%dma_wait3A_172 : memref<100000x128xf32, #tpu.memory_space<hbm>>) dst(%dma_wait3A_166 : memref<128x128xf32, #tpu.memory_space<vmem>>)
    %add3A_175 = arith.constant 0 : i32
    %add3A_176 = arith.addi %add3A_157, %add3A_175 : i32
    %dma_start3A_177 = arith.constant 1 : i32
    %dma_start3A_178 = arith.constant 0 : i32
    %dma_start3A_179 = arith.constant 1 : i32
    %dma_start3A_180 = arith.constant 0 : i32
    %dma_start3A_181 = arith.constant 0 : i32
    %dma_start3A_182 = tpu.memref_slice %arg6[%dma_start3A_177, %dma_start3A_178, %dma_start3A_180, %dma_start3A_181] : memref<2x2x128x128xf32, #tpu.memory_space<vmem>> -> memref<1x1x128x128xf32, #tpu.memory_space<vmem>>
    %dma_start3A_183 = tpu.memref_squeeze %dma_start3A_182 : memref<1x1x128x128xf32, #tpu.memory_space<vmem>> -> memref<128x128xf32, #tpu.memory_space<vmem>>
    %dma_start3A_184 = arith.constant 0 : i32
    %dma_start3A_185 = arith.constant 0 : i32
    %dma_start3A_186 = tpu.memref_slice %arg4[%add3A_176, %dma_start3A_184, %dma_start3A_185] : memref<6400x128x128xf32, #tpu.memory_space<hbm>> -> memref<1x128x128xf32, #tpu.memory_space<hbm>>
    %dma_start3A_187 = tpu.memref_squeeze %dma_start3A_186 : memref<1x128x128xf32, #tpu.memory_space<hbm>> -> memref<128x128xf32, #tpu.memory_space<hbm>>
    %dma_start3A_188 = tpu.memref_slice %arg8[%dma_start3A_179] : memref<2x!tpu.dma_semaphore, #tpu.memory_space<semaphore_mem>> -> memref<1x!tpu.dma_semaphore, #tpu.memory_space<semaphore_mem>>
    %dma_start3A_189 = tpu.memref_squeeze %dma_start3A_188 : memref<1x!tpu.dma_semaphore, #tpu.memory_space<semaphore_mem>> -> memref<!tpu.dma_semaphore, #tpu.memory_space<semaphore_mem>>
    %dma_start3A_190 = arith.constant 0 : i32
    %dma_start3A_191 = arith.constant 0 : i32
    %dma_start3A_192 = tpu.memref_slice %arg4[%add3A_176, %dma_start3A_190, %dma_start3A_191] : memref<6400x128x128xf32, #tpu.memory_space<hbm>> -> memref<1x128x128xf32, #tpu.memory_space<hbm>>
    %dma_start3A_193 = tpu.memref_squeeze %dma_start3A_192 : memref<1x128x128xf32, #tpu.memory_space<hbm>> -> memref<128x128xf32, #tpu.memory_space<hbm>>
    %dma_start3A_194 = arith.constant 0 : i32
    %dma_start3A_195 = arith.constant 0 : i32
    %dma_start3A_196 = tpu.memref_slice %arg6[%dma_start3A_177, %dma_start3A_178, %dma_start3A_194, %dma_start3A_195] : memref<2x2x128x128xf32, #tpu.memory_space<vmem>> -> memref<1x1x128x128xf32, #tpu.memory_space<vmem>>
    %dma_start3A_197 = tpu.memref_squeeze %dma_start3A_196 : memref<1x1x128x128xf32, #tpu.memory_space<vmem>> -> memref<128x128xf32, #tpu.memory_space<vmem>>
    tpu.enqueue_dma source(%dma_start3A_197 : memref<128x128xf32, #tpu.memory_space<vmem>>) target(%dma_start3A_193 : memref<128x128xf32, #tpu.memory_space<hbm>>) target_semaphore(%dma_start3A_189 : memref<!tpu.dma_semaphore, #tpu.memory_space<semaphore_mem>>)
    %dma_wait3A_198 = arith.constant 1 : i32
    %dma_wait3A_199 = arith.constant 1 : i32
    %dma_wait3A_200 = arith.constant 1 : i32
    %dma_wait3A_201 = arith.constant 1 : i32
    %dma_wait3A_202 = arith.constant 1 : i32
    %dma_wait3A_203 = arith.constant 0 : i32
    %dma_wait3A_204 = arith.constant 0 : i32
    %dma_wait3A_205 = tpu.memref_slice %arg6[%dma_wait3A_200, %dma_wait3A_201, %dma_wait3A_203, %dma_wait3A_204] : memref<2x2x128x128xf32, #tpu.memory_space<vmem>> -> memref<1x1x128x128xf32, #tpu.memory_space<vmem>>
    %dma_wait3A_206 = tpu.memref_squeeze %dma_wait3A_205 : memref<1x1x128x128xf32, #tpu.memory_space<vmem>> -> memref<128x128xf32, #tpu.memory_space<vmem>>
    %dma_wait3A_207 = arith.constant 0 : i32
    %dma_wait3A_208 = tpu.memref_slice %arg5[%dma_wait3A_198, %dma_wait3A_199, %dma_wait3A_207] : memref<2x2x128xi32, #tpu.memory_space<vmem>> -> memref<1x1x128xi32, #tpu.memory_space<vmem>>
    %dma_wait3A_209 = tpu.memref_squeeze %dma_wait3A_208 : memref<1x1x128xi32, #tpu.memory_space<vmem>> -> memref<128xi32, #tpu.memory_space<vmem>>
    %dma_wait3A_210 = arith.constant 0 : i32
    %dma_wait3A_211 = arith.constant 0 : i32
    %dma_wait3A_212 = tpu.memref_slice %arg2[%dma_wait3A_210, %dma_wait3A_211] : memref<100000x128xf32, #tpu.memory_space<hbm>> -> memref<100000x128xf32, #tpu.memory_space<hbm>>
    %dma_wait3A_213 = tpu.memref_slice %arg7[%dma_wait3A_202] : memref<2x!tpu.dma_semaphore, #tpu.memory_space<semaphore_mem>> -> memref<1x!tpu.dma_semaphore, #tpu.memory_space<semaphore_mem>>
    %dma_wait3A_214 = tpu.memref_squeeze %dma_wait3A_213 : memref<1x!tpu.dma_semaphore, #tpu.memory_space<semaphore_mem>> -> memref<!tpu.dma_semaphore, #tpu.memory_space<semaphore_mem>>
    tpu.wait_indirect_dma semaphore(%dma_wait3A_214 : memref<!tpu.dma_semaphore, #tpu.memory_space<semaphore_mem>>) src(%dma_wait3A_212 : memref<100000x128xf32, #tpu.memory_space<hbm>>) dst(%dma_wait3A_206 : memref<128x128xf32, #tpu.memory_space<vmem>>)
    %add3A_215 = arith.constant 1 : i32
    %add3A_216 = arith.addi %add3A_157, %add3A_215 : i32
    %dma_start3A_217 = arith.constant 1 : i32
    %dma_start3A_218 = arith.constant 1 : i32
    %dma_start3A_219 = arith.constant 1 : i32
    %dma_start3A_220 = arith.constant 0 : i32
    %dma_start3A_221 = arith.constant 0 : i32
    %dma_start3A_222 = tpu.memref_slice %arg6[%dma_start3A_217, %dma_start3A_218, %dma_start3A_220, %dma_start3A_221] : memref<2x2x128x128xf32, #tpu.memory_space<vmem>> -> memref<1x1x128x128xf32, #tpu.memory_space<vmem>>
    %dma_start3A_223 = tpu.memref_squeeze %dma_start3A_222 : memref<1x1x128x128xf32, #tpu.memory_space<vmem>> -> memref<128x128xf32, #tpu.memory_space<vmem>>
    %dma_start3A_224 = arith.constant 0 : i32
    %dma_start3A_225 = arith.constant 0 : i32
    %dma_start3A_226 = tpu.memref_slice %arg4[%add3A_216, %dma_start3A_224, %dma_start3A_225] : memref<6400x128x128xf32, #tpu.memory_space<hbm>> -> memref<1x128x128xf32, #tpu.memory_space<hbm>>
    %dma_start3A_227 = tpu.memref_squeeze %dma_start3A_226 : memref<1x128x128xf32, #tpu.memory_space<hbm>> -> memref<128x128xf32, #tpu.memory_space<hbm>>
    %dma_start3A_228 = tpu.memref_slice %arg8[%dma_start3A_219] : memref<2x!tpu.dma_semaphore, #tpu.memory_space<semaphore_mem>> -> memref<1x!tpu.dma_semaphore, #tpu.memory_space<semaphore_mem>>
    %dma_start3A_229 = tpu.memref_squeeze %dma_start3A_228 : memref<1x!tpu.dma_semaphore, #tpu.memory_space<semaphore_mem>> -> memref<!tpu.dma_semaphore, #tpu.memory_space<semaphore_mem>>
    %dma_start3A_230 = arith.constant 0 : i32
    %dma_start3A_231 = arith.constant 0 : i32
    %dma_start3A_232 = tpu.memref_slice %arg4[%add3A_216, %dma_start3A_230, %dma_start3A_231] : memref<6400x128x128xf32, #tpu.memory_space<hbm>> -> memref<1x128x128xf32, #tpu.memory_space<hbm>>
    %dma_start3A_233 = tpu.memref_squeeze %dma_start3A_232 : memref<1x128x128xf32, #tpu.memory_space<hbm>> -> memref<128x128xf32, #tpu.memory_space<hbm>>
    %dma_start3A_234 = arith.constant 0 : i32
    %dma_start3A_235 = arith.constant 0 : i32
    %dma_start3A_236 = tpu.memref_slice %arg6[%dma_start3A_217, %dma_start3A_218, %dma_start3A_234, %dma_start3A_235] : memref<2x2x128x128xf32, #tpu.memory_space<vmem>> -> memref<1x1x128x128xf32, #tpu.memory_space<vmem>>
    %dma_start3A_237 = tpu.memref_squeeze %dma_start3A_236 : memref<1x1x128x128xf32, #tpu.memory_space<vmem>> -> memref<128x128xf32, #tpu.memory_space<vmem>>
    tpu.enqueue_dma source(%dma_start3A_237 : memref<128x128xf32, #tpu.memory_space<vmem>>) target(%dma_start3A_233 : memref<128x128xf32, #tpu.memory_space<hbm>>) target_semaphore(%dma_start3A_229 : memref<!tpu.dma_semaphore, #tpu.memory_space<semaphore_mem>>)
    %scan3A = arith.constant 0 : i32
    %scan3A_238 = arith.constant 1 : i32
    %scan3A_239 = arith.constant 49 : i32
    %scan3A_240 = arith.addi %scan3A_238, %scan3A_239 : i32
    %scan3A_241 = arith.constant 1 : i32
    scf.for %scan3A_339 = %scan3A_238 to %scan3A_240 step %scan3A_241  : i32 {
      %mul3A_340 = arith.constant 2 : i32
      %mul3A_341 = arith.muli %scan3A_339, %mul3A_340 : i32
      %add3A_342 = arith.constant 0 : i32
      %add3A_343 = arith.addi %mul3A_341, %add3A_342 : i32
      %sub3A = arith.constant 2 : i32
      %sub3A_344 = arith.subi %add3A_343, %sub3A : i32
      %mul3A_345 = arith.constant 2 : i32
      %mul3A_346 = arith.muli %sub3A_344, %mul3A_345 : i32
      %add3A_347 = arith.addi %mul3A_2, %mul3A_346 : i32
      %add3A_348 = arith.constant 0 : i32
      %add3A_349 = arith.addi %add3A_347, %add3A_348 : i32
      %dma_wait3A_350 = arith.constant 0 : i32
      %dma_wait3A_351 = arith.constant 0 : i32
      %dma_wait3A_352 = arith.constant 0 : i32
      %dma_wait3A_353 = arith.constant 0 : i32
      %dma_wait3A_354 = arith.constant 0 : i32
      %dma_wait3A_355 = tpu.memref_slice %arg6[%dma_wait3A_350, %dma_wait3A_351, %dma_wait3A_353, %dma_wait3A_354] : memref<2x2x128x128xf32, #tpu.memory_space<vmem>> -> memref<1x1x128x128xf32, #tpu.memory_space<vmem>>
      %dma_wait3A_356 = tpu.memref_squeeze %dma_wait3A_355 : memref<1x1x128x128xf32, #tpu.memory_space<vmem>> -> memref<128x128xf32, #tpu.memory_space<vmem>>
      %dma_wait3A_357 = arith.constant 0 : i32
      %dma_wait3A_358 = arith.constant 0 : i32
      %dma_wait3A_359 = tpu.memref_slice %arg4[%add3A_349, %dma_wait3A_357, %dma_wait3A_358] : memref<6400x128x128xf32, #tpu.memory_space<hbm>> -> memref<1x128x128xf32, #tpu.memory_space<hbm>>
      %dma_wait3A_360 = tpu.memref_squeeze %dma_wait3A_359 : memref<1x128x128xf32, #tpu.memory_space<hbm>> -> memref<128x128xf32, #tpu.memory_space<hbm>>
      %dma_wait3A_361 = tpu.memref_slice %arg8[%dma_wait3A_352] : memref<2x!tpu.dma_semaphore, #tpu.memory_space<semaphore_mem>> -> memref<1x!tpu.dma_semaphore, #tpu.memory_space<semaphore_mem>>
      %dma_wait3A_362 = tpu.memref_squeeze %dma_wait3A_361 : memref<1x!tpu.dma_semaphore, #tpu.memory_space<semaphore_mem>> -> memref<!tpu.dma_semaphore, #tpu.memory_space<semaphore_mem>>
      %dma_wait3A_363 = arith.constant 0 : i32
      %dma_wait3A_364 = arith.constant 0 : i32
      %dma_wait3A_365 = tpu.memref_slice %arg4[%add3A_349, %dma_wait3A_363, %dma_wait3A_364] : memref<6400x128x128xf32, #tpu.memory_space<hbm>> -> memref<1x128x128xf32, #tpu.memory_space<hbm>>
      %dma_wait3A_366 = tpu.memref_squeeze %dma_wait3A_365 : memref<1x128x128xf32, #tpu.memory_space<hbm>> -> memref<128x128xf32, #tpu.memory_space<hbm>>
      %dma_wait3A_367 = arith.constant 0 : i32
      %dma_wait3A_368 = arith.constant 0 : i32
      %dma_wait3A_369 = tpu.memref_slice %arg6[%dma_wait3A_350, %dma_wait3A_351, %dma_wait3A_367, %dma_wait3A_368] : memref<2x2x128x128xf32, #tpu.memory_space<vmem>> -> memref<1x1x128x128xf32, #tpu.memory_space<vmem>>
      %dma_wait3A_370 = tpu.memref_squeeze %dma_wait3A_369 : memref<1x1x128x128xf32, #tpu.memory_space<vmem>> -> memref<128x128xf32, #tpu.memory_space<vmem>>
      tpu.wait_dma2 semaphore(%dma_wait3A_362 : memref<!tpu.dma_semaphore, #tpu.memory_space<semaphore_mem>>) src(%dma_wait3A_370 : memref<128x128xf32, #tpu.memory_space<vmem>>) dst(%dma_wait3A_366 : memref<128x128xf32, #tpu.memory_space<hbm>>)
      %add3A_371 = arith.constant 1 : i32
      %add3A_372 = arith.addi %add3A_347, %add3A_371 : i32
      %dma_wait3A_373 = arith.constant 0 : i32
      %dma_wait3A_374 = arith.constant 1 : i32
      %dma_wait3A_375 = arith.constant 0 : i32
      %dma_wait3A_376 = arith.constant 0 : i32
      %dma_wait3A_377 = arith.constant 0 : i32
      %dma_wait3A_378 = tpu.memref_slice %arg6[%dma_wait3A_373, %dma_wait3A_374, %dma_wait3A_376, %dma_wait3A_377] : memref<2x2x128x128xf32, #tpu.memory_space<vmem>> -> memref<1x1x128x128xf32, #tpu.memory_space<vmem>>
      %dma_wait3A_379 = tpu.memref_squeeze %dma_wait3A_378 : memref<1x1x128x128xf32, #tpu.memory_space<vmem>> -> memref<128x128xf32, #tpu.memory_space<vmem>>
      %dma_wait3A_380 = arith.constant 0 : i32
      %dma_wait3A_381 = arith.constant 0 : i32
      %dma_wait3A_382 = tpu.memref_slice %arg4[%add3A_372, %dma_wait3A_380, %dma_wait3A_381] : memref<6400x128x128xf32, #tpu.memory_space<hbm>> -> memref<1x128x128xf32, #tpu.memory_space<hbm>>
      %dma_wait3A_383 = tpu.memref_squeeze %dma_wait3A_382 : memref<1x128x128xf32, #tpu.memory_space<hbm>> -> memref<128x128xf32, #tpu.memory_space<hbm>>
      %dma_wait3A_384 = tpu.memref_slice %arg8[%dma_wait3A_375] : memref<2x!tpu.dma_semaphore, #tpu.memory_space<semaphore_mem>> -> memref<1x!tpu.dma_semaphore, #tpu.memory_space<semaphore_mem>>
      %dma_wait3A_385 = tpu.memref_squeeze %dma_wait3A_384 : memref<1x!tpu.dma_semaphore, #tpu.memory_space<semaphore_mem>> -> memref<!tpu.dma_semaphore, #tpu.memory_space<semaphore_mem>>
      %dma_wait3A_386 = arith.constant 0 : i32
      %dma_wait3A_387 = arith.constant 0 : i32
      %dma_wait3A_388 = tpu.memref_slice %arg4[%add3A_372, %dma_wait3A_386, %dma_wait3A_387] : memref<6400x128x128xf32, #tpu.memory_space<hbm>> -> memref<1x128x128xf32, #tpu.memory_space<hbm>>
      %dma_wait3A_389 = tpu.memref_squeeze %dma_wait3A_388 : memref<1x128x128xf32, #tpu.memory_space<hbm>> -> memref<128x128xf32, #tpu.memory_space<hbm>>
      %dma_wait3A_390 = arith.constant 0 : i32
      %dma_wait3A_391 = arith.constant 0 : i32
      %dma_wait3A_392 = tpu.memref_slice %arg6[%dma_wait3A_373, %dma_wait3A_374, %dma_wait3A_390, %dma_wait3A_391] : memref<2x2x128x128xf32, #tpu.memory_space<vmem>> -> memref<1x1x128x128xf32, #tpu.memory_space<vmem>>
      %dma_wait3A_393 = tpu.memref_squeeze %dma_wait3A_392 : memref<1x1x128x128xf32, #tpu.memory_space<vmem>> -> memref<128x128xf32, #tpu.memory_space<vmem>>
      tpu.wait_dma2 semaphore(%dma_wait3A_385 : memref<!tpu.dma_semaphore, #tpu.memory_space<semaphore_mem>>) src(%dma_wait3A_393 : memref<128x128xf32, #tpu.memory_space<vmem>>) dst(%dma_wait3A_389 : memref<128x128xf32, #tpu.memory_space<hbm>>)
      %mul3A_394 = arith.constant 2 : i32
      %mul3A_395 = arith.muli %add3A_343, %mul3A_394 : i32
      %add3A_396 = arith.addi %mul3A_2, %mul3A_395 : i32
      %run_scoped3A_397 = arith.constant 0 : i32
      "tpu.region"() ({
        %run_scoped3A_699 = tpu.sem_alloc : memref<!tpu.dma_semaphore, #tpu.memory_space<semaphore_mem>>
        %dma_start3A_700 = arith.constant 0 : i32
        %dma_start3A_701 = arith.constant 0 : i32
        %dma_start3A_702 = tpu.memref_slice %arg5[%run_scoped3A_397, %dma_start3A_700, %dma_start3A_701] : memref<2x2x128xi32, #tpu.memory_space<vmem>> -> memref<1x2x128xi32, #tpu.memory_space<vmem>>
        %dma_start3A_703 = tpu.memref_squeeze %dma_start3A_702 : memref<1x2x128xi32, #tpu.memory_space<vmem>> -> memref<2x128xi32, #tpu.memory_space<vmem>>
        %dma_start3A_704 = arith.constant 0 : i32
        %dma_start3A_705 = tpu.memref_slice %arg3[%add3A_396, %dma_start3A_704] : memref<6400x128xi32, #tpu.memory_space<hbm>> -> memref<2x128xi32, #tpu.memory_space<hbm>>
        %dma_start3A_706 = arith.constant 0 : i32
        %dma_start3A_707 = arith.constant 0 : i32
        %dma_start3A_708 = tpu.memref_slice %arg5[%run_scoped3A_397, %dma_start3A_706, %dma_start3A_707] : memref<2x2x128xi32, #tpu.memory_space<vmem>> -> memref<1x2x128xi32, #tpu.memory_space<vmem>>
        %dma_start3A_709 = tpu.memref_squeeze %dma_start3A_708 : memref<1x2x128xi32, #tpu.memory_space<vmem>> -> memref<2x128xi32, #tpu.memory_space<vmem>>
        %dma_start3A_710 = arith.constant 0 : i32
        %dma_start3A_711 = tpu.memref_slice %arg3[%add3A_396, %dma_start3A_710] : memref<6400x128xi32, #tpu.memory_space<hbm>> -> memref<2x128xi32, #tpu.memory_space<hbm>>
        tpu.enqueue_dma source(%dma_start3A_711 : memref<2x128xi32, #tpu.memory_space<hbm>>) target(%dma_start3A_709 : memref<2x128xi32, #tpu.memory_space<vmem>>) target_semaphore(%run_scoped3A_699 : memref<!tpu.dma_semaphore, #tpu.memory_space<semaphore_mem>>)
        %dma_wait3A_712 = arith.constant 0 : i32
        %dma_wait3A_713 = arith.constant 0 : i32
        %dma_wait3A_714 = tpu.memref_slice %arg5[%run_scoped3A_397, %dma_wait3A_712, %dma_wait3A_713] : memref<2x2x128xi32, #tpu.memory_space<vmem>> -> memref<1x2x128xi32, #tpu.memory_space<vmem>>
        %dma_wait3A_715 = tpu.memref_squeeze %dma_wait3A_714 : memref<1x2x128xi32, #tpu.memory_space<vmem>> -> memref<2x128xi32, #tpu.memory_space<vmem>>
        %dma_wait3A_716 = arith.constant 0 : i32
        %dma_wait3A_717 = tpu.memref_slice %arg3[%add3A_396, %dma_wait3A_716] : memref<6400x128xi32, #tpu.memory_space<hbm>> -> memref<2x128xi32, #tpu.memory_space<hbm>>
        %dma_wait3A_718 = arith.constant 0 : i32
        %dma_wait3A_719 = arith.constant 0 : i32
        %dma_wait3A_720 = tpu.memref_slice %arg5[%run_scoped3A_397, %dma_wait3A_718, %dma_wait3A_719] : memref<2x2x128xi32, #tpu.memory_space<vmem>> -> memref<1x2x128xi32, #tpu.memory_space<vmem>>
        %dma_wait3A_721 = tpu.memref_squeeze %dma_wait3A_720 : memref<1x2x128xi32, #tpu.memory_space<vmem>> -> memref<2x128xi32, #tpu.memory_space<vmem>>
        %dma_wait3A_722 = arith.constant 0 : i32
        %dma_wait3A_723 = tpu.memref_slice %arg3[%add3A_396, %dma_wait3A_722] : memref<6400x128xi32, #tpu.memory_space<hbm>> -> memref<2x128xi32, #tpu.memory_space<hbm>>
        tpu.wait_dma2 semaphore(%run_scoped3A_699 : memref<!tpu.dma_semaphore, #tpu.memory_space<semaphore_mem>>) src(%dma_wait3A_723 : memref<2x128xi32, #tpu.memory_space<hbm>>) dst(%dma_wait3A_721 : memref<2x128xi32, #tpu.memory_space<vmem>>)
        tpu.yield
      }) : () -> ()
      %dma_start3A_398 = arith.constant 0 : i32
      %dma_start3A_399 = arith.constant 0 : i32
      %dma_start3A_400 = arith.constant 0 : i32
      %dma_start3A_401 = arith.constant 0 : i32
      %dma_start3A_402 = arith.constant 0 : i32
      %dma_start3A_403 = arith.constant 0 : i32
      %dma_start3A_404 = arith.constant 0 : i32
      %dma_start3A_405 = tpu.memref_slice %arg6[%dma_start3A_400, %dma_start3A_401, %dma_start3A_403, %dma_start3A_404] : memref<2x2x128x128xf32, #tpu.memory_space<vmem>> -> memref<1x1x128x128xf32, #tpu.memory_space<vmem>>
      %dma_start3A_406 = tpu.memref_squeeze %dma_start3A_405 : memref<1x1x128x128xf32, #tpu.memory_space<vmem>> -> memref<128x128xf32, #tpu.memory_space<vmem>>
      %dma_start3A_407 = arith.constant 0 : i32
      %dma_start3A_408 = tpu.memref_slice %arg5[%dma_start3A_398, %dma_start3A_399, %dma_start3A_407] : memref<2x2x128xi32, #tpu.memory_space<vmem>> -> memref<1x1x128xi32, #tpu.memory_space<vmem>>
      %dma_start3A_409 = tpu.memref_squeeze %dma_start3A_408 : memref<1x1x128xi32, #tpu.memory_space<vmem>> -> memref<128xi32, #tpu.memory_space<vmem>>
      %dma_start3A_410 = arith.constant 0 : i32
      %dma_start3A_411 = arith.constant 0 : i32
      %dma_start3A_412 = tpu.memref_slice %arg2[%dma_start3A_410, %dma_start3A_411] : memref<100000x128xf32, #tpu.memory_space<hbm>> -> memref<100000x128xf32, #tpu.memory_space<hbm>>
      %dma_start3A_413 = tpu.memref_slice %arg7[%dma_start3A_402] : memref<2x!tpu.dma_semaphore, #tpu.memory_space<semaphore_mem>> -> memref<1x!tpu.dma_semaphore, #tpu.memory_space<semaphore_mem>>
      %dma_start3A_414 = tpu.memref_squeeze %dma_start3A_413 : memref<1x!tpu.dma_semaphore, #tpu.memory_space<semaphore_mem>> -> memref<!tpu.dma_semaphore, #tpu.memory_space<semaphore_mem>>
      tpu.enqueue_indirect_dma source(%dma_start3A_412 : memref<100000x128xf32, #tpu.memory_space<hbm>>) target(%dma_start3A_406 : memref<128x128xf32, #tpu.memory_space<vmem>>) offsets(%dma_start3A_409 : memref<128xi32, #tpu.memory_space<vmem>>) semaphore(%dma_start3A_414 : memref<!tpu.dma_semaphore, #tpu.memory_space<semaphore_mem>>)
      %dma_start3A_415 = arith.constant 0 : i32
      %dma_start3A_416 = arith.constant 1 : i32
      %dma_start3A_417 = arith.constant 0 : i32
      %dma_start3A_418 = arith.constant 1 : i32
      %dma_start3A_419 = arith.constant 0 : i32
      %dma_start3A_420 = arith.constant 0 : i32
      %dma_start3A_421 = arith.constant 0 : i32
      %dma_start3A_422 = tpu.memref_slice %arg6[%dma_start3A_417, %dma_start3A_418, %dma_start3A_420, %dma_start3A_421] : memref<2x2x128x128xf32, #tpu.memory_space<vmem>> -> memref<1x1x128x128xf32, #tpu.memory_space<vmem>>
      %dma_start3A_423 = tpu.memref_squeeze %dma_start3A_422 : memref<1x1x128x128xf32, #tpu.memory_space<vmem>> -> memref<128x128xf32, #tpu.memory_space<vmem>>
      %dma_start3A_424 = arith.constant 0 : i32
      %dma_start3A_425 = tpu.memref_slice %arg5[%dma_start3A_415, %dma_start3A_416, %dma_start3A_424] : memref<2x2x128xi32, #tpu.memory_space<vmem>> -> memref<1x1x128xi32, #tpu.memory_space<vmem>>
      %dma_start3A_426 = tpu.memref_squeeze %dma_start3A_425 : memref<1x1x128xi32, #tpu.memory_space<vmem>> -> memref<128xi32, #tpu.memory_space<vmem>>
      %dma_start3A_427 = arith.constant 0 : i32
      %dma_start3A_428 = arith.constant 0 : i32
      %dma_start3A_429 = tpu.memref_slice %arg2[%dma_start3A_427, %dma_start3A_428] : memref<100000x128xf32, #tpu.memory_space<hbm>> -> memref<100000x128xf32, #tpu.memory_space<hbm>>
      %dma_start3A_430 = tpu.memref_slice %arg7[%dma_start3A_419] : memref<2x!tpu.dma_semaphore, #tpu.memory_space<semaphore_mem>> -> memref<1x!tpu.dma_semaphore, #tpu.memory_space<semaphore_mem>>
      %dma_start3A_431 = tpu.memref_squeeze %dma_start3A_430 : memref<1x!tpu.dma_semaphore, #tpu.memory_space<semaphore_mem>> -> memref<!tpu.dma_semaphore, #tpu.memory_space<semaphore_mem>>
      tpu.enqueue_indirect_dma source(%dma_start3A_429 : memref<100000x128xf32, #tpu.memory_space<hbm>>) target(%dma_start3A_423 : memref<128x128xf32, #tpu.memory_space<vmem>>) offsets(%dma_start3A_426 : memref<128xi32, #tpu.memory_space<vmem>>) semaphore(%dma_start3A_431 : memref<!tpu.dma_semaphore, #tpu.memory_space<semaphore_mem>>)
      %mul3A_432 = arith.constant 2 : i32
      %mul3A_433 = arith.muli %scan3A_339, %mul3A_432 : i32
      %add3A_434 = arith.constant 1 : i32
      %add3A_435 = arith.addi %mul3A_433, %add3A_434 : i32
      %sub3A_436 = arith.constant 2 : i32
      %sub3A_437 = arith.subi %add3A_435, %sub3A_436 : i32
      %mul3A_438 = arith.constant 2 : i32
      %mul3A_439 = arith.muli %sub3A_437, %mul3A_438 : i32
      %add3A_440 = arith.addi %mul3A_2, %mul3A_439 : i32
      %add3A_441 = arith.constant 0 : i32
      %add3A_442 = arith.addi %add3A_440, %add3A_441 : i32
      %dma_wait3A_443 = arith.constant 1 : i32
      %dma_wait3A_444 = arith.constant 0 : i32
      %dma_wait3A_445 = arith.constant 1 : i32
      %dma_wait3A_446 = arith.constant 0 : i32
      %dma_wait3A_447 = arith.constant 0 : i32
      %dma_wait3A_448 = tpu.memref_slice %arg6[%dma_wait3A_443, %dma_wait3A_444, %dma_wait3A_446, %dma_wait3A_447] : memref<2x2x128x128xf32, #tpu.memory_space<vmem>> -> memref<1x1x128x128xf32, #tpu.memory_space<vmem>>
      %dma_wait3A_449 = tpu.memref_squeeze %dma_wait3A_448 : memref<1x1x128x128xf32, #tpu.memory_space<vmem>> -> memref<128x128xf32, #tpu.memory_space<vmem>>
      %dma_wait3A_450 = arith.constant 0 : i32
      %dma_wait3A_451 = arith.constant 0 : i32
      %dma_wait3A_452 = tpu.memref_slice %arg4[%add3A_442, %dma_wait3A_450, %dma_wait3A_451] : memref<6400x128x128xf32, #tpu.memory_space<hbm>> -> memref<1x128x128xf32, #tpu.memory_space<hbm>>
      %dma_wait3A_453 = tpu.memref_squeeze %dma_wait3A_452 : memref<1x128x128xf32, #tpu.memory_space<hbm>> -> memref<128x128xf32, #tpu.memory_space<hbm>>
      %dma_wait3A_454 = tpu.memref_slice %arg8[%dma_wait3A_445] : memref<2x!tpu.dma_semaphore, #tpu.memory_space<semaphore_mem>> -> memref<1x!tpu.dma_semaphore, #tpu.memory_space<semaphore_mem>>
      %dma_wait3A_455 = tpu.memref_squeeze %dma_wait3A_454 : memref<1x!tpu.dma_semaphore, #tpu.memory_space<semaphore_mem>> -> memref<!tpu.dma_semaphore, #tpu.memory_space<semaphore_mem>>
      %dma_wait3A_456 = arith.constant 0 : i32
      %dma_wait3A_457 = arith.constant 0 : i32
      %dma_wait3A_458 = tpu.memref_slice %arg4[%add3A_442, %dma_wait3A_456, %dma_wait3A_457] : memref<6400x128x128xf32, #tpu.memory_space<hbm>> -> memref<1x128x128xf32, #tpu.memory_space<hbm>>
      %dma_wait3A_459 = tpu.memref_squeeze %dma_wait3A_458 : memref<1x128x128xf32, #tpu.memory_space<hbm>> -> memref<128x128xf32, #tpu.memory_space<hbm>>
      %dma_wait3A_460 = arith.constant 0 : i32
      %dma_wait3A_461 = arith.constant 0 : i32
      %dma_wait3A_462 = tpu.memref_slice %arg6[%dma_wait3A_443, %dma_wait3A_444, %dma_wait3A_460, %dma_wait3A_461] : memref<2x2x128x128xf32, #tpu.memory_space<vmem>> -> memref<1x1x128x128xf32, #tpu.memory_space<vmem>>
      %dma_wait3A_463 = tpu.memref_squeeze %dma_wait3A_462 : memref<1x1x128x128xf32, #tpu.memory_space<vmem>> -> memref<128x128xf32, #tpu.memory_space<vmem>>
      tpu.wait_dma2 semaphore(%dma_wait3A_455 : memref<!tpu.dma_semaphore, #tpu.memory_space<semaphore_mem>>) src(%dma_wait3A_463 : memref<128x128xf32, #tpu.memory_space<vmem>>) dst(%dma_wait3A_459 : memref<128x128xf32, #tpu.memory_space<hbm>>)
      %add3A_464 = arith.constant 1 : i32
      %add3A_465 = arith.addi %add3A_440, %add3A_464 : i32
      %dma_wait3A_466 = arith.constant 1 : i32
      %dma_wait3A_467 = arith.constant 1 : i32
      %dma_wait3A_468 = arith.constant 1 : i32
      %dma_wait3A_469 = arith.constant 0 : i32
      %dma_wait3A_470 = arith.constant 0 : i32
      %dma_wait3A_471 = tpu.memref_slice %arg6[%dma_wait3A_466, %dma_wait3A_467, %dma_wait3A_469, %dma_wait3A_470] : memref<2x2x128x128xf32, #tpu.memory_space<vmem>> -> memref<1x1x128x128xf32, #tpu.memory_space<vmem>>
      %dma_wait3A_472 = tpu.memref_squeeze %dma_wait3A_471 : memref<1x1x128x128xf32, #tpu.memory_space<vmem>> -> memref<128x128xf32, #tpu.memory_space<vmem>>
      %dma_wait3A_473 = arith.constant 0 : i32
      %dma_wait3A_474 = arith.constant 0 : i32
      %dma_wait3A_475 = tpu.memref_slice %arg4[%add3A_465, %dma_wait3A_473, %dma_wait3A_474] : memref<6400x128x128xf32, #tpu.memory_space<hbm>> -> memref<1x128x128xf32, #tpu.memory_space<hbm>>
      %dma_wait3A_476 = tpu.memref_squeeze %dma_wait3A_475 : memref<1x128x128xf32, #tpu.memory_space<hbm>> -> memref<128x128xf32, #tpu.memory_space<hbm>>
      %dma_wait3A_477 = tpu.memref_slice %arg8[%dma_wait3A_468] : memref<2x!tpu.dma_semaphore, #tpu.memory_space<semaphore_mem>> -> memref<1x!tpu.dma_semaphore, #tpu.memory_space<semaphore_mem>>
      %dma_wait3A_478 = tpu.memref_squeeze %dma_wait3A_477 : memref<1x!tpu.dma_semaphore, #tpu.memory_space<semaphore_mem>> -> memref<!tpu.dma_semaphore, #tpu.memory_space<semaphore_mem>>
      %dma_wait3A_479 = arith.constant 0 : i32
      %dma_wait3A_480 = arith.constant 0 : i32
      %dma_wait3A_481 = tpu.memref_slice %arg4[%add3A_465, %dma_wait3A_479, %dma_wait3A_480] : memref<6400x128x128xf32, #tpu.memory_space<hbm>> -> memref<1x128x128xf32, #tpu.memory_space<hbm>>
      %dma_wait3A_482 = tpu.memref_squeeze %dma_wait3A_481 : memref<1x128x128xf32, #tpu.memory_space<hbm>> -> memref<128x128xf32, #tpu.memory_space<hbm>>
      %dma_wait3A_483 = arith.constant 0 : i32
      %dma_wait3A_484 = arith.constant 0 : i32
      %dma_wait3A_485 = tpu.memref_slice %arg6[%dma_wait3A_466, %dma_wait3A_467, %dma_wait3A_483, %dma_wait3A_484] : memref<2x2x128x128xf32, #tpu.memory_space<vmem>> -> memref<1x1x128x128xf32, #tpu.memory_space<vmem>>
      %dma_wait3A_486 = tpu.memref_squeeze %dma_wait3A_485 : memref<1x1x128x128xf32, #tpu.memory_space<vmem>> -> memref<128x128xf32, #tpu.memory_space<vmem>>
      tpu.wait_dma2 semaphore(%dma_wait3A_478 : memref<!tpu.dma_semaphore, #tpu.memory_space<semaphore_mem>>) src(%dma_wait3A_486 : memref<128x128xf32, #tpu.memory_space<vmem>>) dst(%dma_wait3A_482 : memref<128x128xf32, #tpu.memory_space<hbm>>)
      %mul3A_487 = arith.constant 2 : i32
      %mul3A_488 = arith.muli %add3A_435, %mul3A_487 : i32
      %add3A_489 = arith.addi %mul3A_2, %mul3A_488 : i32
      %run_scoped3A_490 = arith.constant 1 : i32
      "tpu.region"() ({
        %run_scoped3A_699 = tpu.sem_alloc : memref<!tpu.dma_semaphore, #tpu.memory_space<semaphore_mem>>
        %dma_start3A_700 = arith.constant 0 : i32
        %dma_start3A_701 = arith.constant 0 : i32
        %dma_start3A_702 = tpu.memref_slice %arg5[%run_scoped3A_490, %dma_start3A_700, %dma_start3A_701] : memref<2x2x128xi32, #tpu.memory_space<vmem>> -> memref<1x2x128xi32, #tpu.memory_space<vmem>>
        %dma_start3A_703 = tpu.memref_squeeze %dma_start3A_702 : memref<1x2x128xi32, #tpu.memory_space<vmem>> -> memref<2x128xi32, #tpu.memory_space<vmem>>
        %dma_start3A_704 = arith.constant 0 : i32
        %dma_start3A_705 = tpu.memref_slice %arg3[%add3A_489, %dma_start3A_704] : memref<6400x128xi32, #tpu.memory_space<hbm>> -> memref<2x128xi32, #tpu.memory_space<hbm>>
        %dma_start3A_706 = arith.constant 0 : i32
        %dma_start3A_707 = arith.constant 0 : i32
        %dma_start3A_708 = tpu.memref_slice %arg5[%run_scoped3A_490, %dma_start3A_706, %dma_start3A_707] : memref<2x2x128xi32, #tpu.memory_space<vmem>> -> memref<1x2x128xi32, #tpu.memory_space<vmem>>
        %dma_start3A_709 = tpu.memref_squeeze %dma_start3A_708 : memref<1x2x128xi32, #tpu.memory_space<vmem>> -> memref<2x128xi32, #tpu.memory_space<vmem>>
        %dma_start3A_710 = arith.constant 0 : i32
        %dma_start3A_711 = tpu.memref_slice %arg3[%add3A_489, %dma_start3A_710] : memref<6400x128xi32, #tpu.memory_space<hbm>> -> memref<2x128xi32, #tpu.memory_space<hbm>>
        tpu.enqueue_dma source(%dma_start3A_711 : memref<2x128xi32, #tpu.memory_space<hbm>>) target(%dma_start3A_709 : memref<2x128xi32, #tpu.memory_space<vmem>>) target_semaphore(%run_scoped3A_699 : memref<!tpu.dma_semaphore, #tpu.memory_space<semaphore_mem>>)
        %dma_wait3A_712 = arith.constant 0 : i32
        %dma_wait3A_713 = arith.constant 0 : i32
        %dma_wait3A_714 = tpu.memref_slice %arg5[%run_scoped3A_490, %dma_wait3A_712, %dma_wait3A_713] : memref<2x2x128xi32, #tpu.memory_space<vmem>> -> memref<1x2x128xi32, #tpu.memory_space<vmem>>
        %dma_wait3A_715 = tpu.memref_squeeze %dma_wait3A_714 : memref<1x2x128xi32, #tpu.memory_space<vmem>> -> memref<2x128xi32, #tpu.memory_space<vmem>>
        %dma_wait3A_716 = arith.constant 0 : i32
        %dma_wait3A_717 = tpu.memref_slice %arg3[%add3A_489, %dma_wait3A_716] : memref<6400x128xi32, #tpu.memory_space<hbm>> -> memref<2x128xi32, #tpu.memory_space<hbm>>
        %dma_wait3A_718 = arith.constant 0 : i32
        %dma_wait3A_719 = arith.constant 0 : i32
        %dma_wait3A_720 = tpu.memref_slice %arg5[%run_scoped3A_490, %dma_wait3A_718, %dma_wait3A_719] : memref<2x2x128xi32, #tpu.memory_space<vmem>> -> memref<1x2x128xi32, #tpu.memory_space<vmem>>
        %dma_wait3A_721 = tpu.memref_squeeze %dma_wait3A_720 : memref<1x2x128xi32, #tpu.memory_space<vmem>> -> memref<2x128xi32, #tpu.memory_space<vmem>>
        %dma_wait3A_722 = arith.constant 0 : i32
        %dma_wait3A_723 = tpu.memref_slice %arg3[%add3A_489, %dma_wait3A_722] : memref<6400x128xi32, #tpu.memory_space<hbm>> -> memref<2x128xi32, #tpu.memory_space<hbm>>
        tpu.wait_dma2 semaphore(%run_scoped3A_699 : memref<!tpu.dma_semaphore, #tpu.memory_space<semaphore_mem>>) src(%dma_wait3A_723 : memref<2x128xi32, #tpu.memory_space<hbm>>) dst(%dma_wait3A_721 : memref<2x128xi32, #tpu.memory_space<vmem>>)
        tpu.yield
      }) : () -> ()
      %dma_start3A_491 = arith.constant 1 : i32
      %dma_start3A_492 = arith.constant 0 : i32
      %dma_start3A_493 = arith.constant 1 : i32
      %dma_start3A_494 = arith.constant 0 : i32
      %dma_start3A_495 = arith.constant 1 : i32
      %dma_start3A_496 = arith.constant 0 : i32
      %dma_start3A_497 = arith.constant 0 : i32
      %dma_start3A_498 = tpu.memref_slice %arg6[%dma_start3A_493, %dma_start3A_494, %dma_start3A_496, %dma_start3A_497] : memref<2x2x128x128xf32, #tpu.memory_space<vmem>> -> memref<1x1x128x128xf32, #tpu.memory_space<vmem>>
      %dma_start3A_499 = tpu.memref_squeeze %dma_start3A_498 : memref<1x1x128x128xf32, #tpu.memory_space<vmem>> -> memref<128x128xf32, #tpu.memory_space<vmem>>
      %dma_start3A_500 = arith.constant 0 : i32
      %dma_start3A_501 = tpu.memref_slice %arg5[%dma_start3A_491, %dma_start3A_492, %dma_start3A_500] : memref<2x2x128xi32, #tpu.memory_space<vmem>> -> memref<1x1x128xi32, #tpu.memory_space<vmem>>
      %dma_start3A_502 = tpu.memref_squeeze %dma_start3A_501 : memref<1x1x128xi32, #tpu.memory_space<vmem>> -> memref<128xi32, #tpu.memory_space<vmem>>
      %dma_start3A_503 = arith.constant 0 : i32
      %dma_start3A_504 = arith.constant 0 : i32
      %dma_start3A_505 = tpu.memref_slice %arg2[%dma_start3A_503, %dma_start3A_504] : memref<100000x128xf32, #tpu.memory_space<hbm>> -> memref<100000x128xf32, #tpu.memory_space<hbm>>
      %dma_start3A_506 = tpu.memref_slice %arg7[%dma_start3A_495] : memref<2x!tpu.dma_semaphore, #tpu.memory_space<semaphore_mem>> -> memref<1x!tpu.dma_semaphore, #tpu.memory_space<semaphore_mem>>
      %dma_start3A_507 = tpu.memref_squeeze %dma_start3A_506 : memref<1x!tpu.dma_semaphore, #tpu.memory_space<semaphore_mem>> -> memref<!tpu.dma_semaphore, #tpu.memory_space<semaphore_mem>>
      tpu.enqueue_indirect_dma source(%dma_start3A_505 : memref<100000x128xf32, #tpu.memory_space<hbm>>) target(%dma_start3A_499 : memref<128x128xf32, #tpu.memory_space<vmem>>) offsets(%dma_start3A_502 : memref<128xi32, #tpu.memory_space<vmem>>) semaphore(%dma_start3A_507 : memref<!tpu.dma_semaphore, #tpu.memory_space<semaphore_mem>>)
      %dma_start3A_508 = arith.constant 1 : i32
      %dma_start3A_509 = arith.constant 1 : i32
      %dma_start3A_510 = arith.constant 1 : i32
      %dma_start3A_511 = arith.constant 1 : i32
      %dma_start3A_512 = arith.constant 1 : i32
      %dma_start3A_513 = arith.constant 0 : i32
      %dma_start3A_514 = arith.constant 0 : i32
      %dma_start3A_515 = tpu.memref_slice %arg6[%dma_start3A_510, %dma_start3A_511, %dma_start3A_513, %dma_start3A_514] : memref<2x2x128x128xf32, #tpu.memory_space<vmem>> -> memref<1x1x128x128xf32, #tpu.memory_space<vmem>>
      %dma_start3A_516 = tpu.memref_squeeze %dma_start3A_515 : memref<1x1x128x128xf32, #tpu.memory_space<vmem>> -> memref<128x128xf32, #tpu.memory_space<vmem>>
      %dma_start3A_517 = arith.constant 0 : i32
      %dma_start3A_518 = tpu.memref_slice %arg5[%dma_start3A_508, %dma_start3A_509, %dma_start3A_517] : memref<2x2x128xi32, #tpu.memory_space<vmem>> -> memref<1x1x128xi32, #tpu.memory_space<vmem>>
      %dma_start3A_519 = tpu.memref_squeeze %dma_start3A_518 : memref<1x1x128xi32, #tpu.memory_space<vmem>> -> memref<128xi32, #tpu.memory_space<vmem>>
      %dma_start3A_520 = arith.constant 0 : i32
      %dma_start3A_521 = arith.constant 0 : i32
      %dma_start3A_522 = tpu.memref_slice %arg2[%dma_start3A_520, %dma_start3A_521] : memref<100000x128xf32, #tpu.memory_space<hbm>> -> memref<100000x128xf32, #tpu.memory_space<hbm>>
      %dma_start3A_523 = tpu.memref_slice %arg7[%dma_start3A_512] : memref<2x!tpu.dma_semaphore, #tpu.memory_space<semaphore_mem>> -> memref<1x!tpu.dma_semaphore, #tpu.memory_space<semaphore_mem>>
      %dma_start3A_524 = tpu.memref_squeeze %dma_start3A_523 : memref<1x!tpu.dma_semaphore, #tpu.memory_space<semaphore_mem>> -> memref<!tpu.dma_semaphore, #tpu.memory_space<semaphore_mem>>
      tpu.enqueue_indirect_dma source(%dma_start3A_522 : memref<100000x128xf32, #tpu.memory_space<hbm>>) target(%dma_start3A_516 : memref<128x128xf32, #tpu.memory_space<vmem>>) offsets(%dma_start3A_519 : memref<128xi32, #tpu.memory_space<vmem>>) semaphore(%dma_start3A_524 : memref<!tpu.dma_semaphore, #tpu.memory_space<semaphore_mem>>)
      %mul3A_525 = arith.constant 2 : i32
      %mul3A_526 = arith.muli %scan3A_339, %mul3A_525 : i32
      %add3A_527 = arith.constant 0 : i32
      %add3A_528 = arith.addi %mul3A_526, %add3A_527 : i32
      %mul3A_529 = arith.constant 2 : i32
      %mul3A_530 = arith.muli %add3A_528, %mul3A_529 : i32
      %add3A_531 = arith.addi %mul3A_2, %mul3A_530 : i32
      %dma_wait3A_532 = arith.constant 0 : i32
      %dma_wait3A_533 = arith.constant 0 : i32
      %dma_wait3A_534 = arith.constant 0 : i32
      %dma_wait3A_535 = arith.constant 0 : i32
      %dma_wait3A_536 = arith.constant 0 : i32
      %dma_wait3A_537 = arith.constant 0 : i32
      %dma_wait3A_538 = arith.constant 0 : i32
      %dma_wait3A_539 = tpu.memref_slice %arg6[%dma_wait3A_534, %dma_wait3A_535, %dma_wait3A_537, %dma_wait3A_538] : memref<2x2x128x128xf32, #tpu.memory_space<vmem>> -> memref<1x1x128x128xf32, #tpu.memory_space<vmem>>
      %dma_wait3A_540 = tpu.memref_squeeze %dma_wait3A_539 : memref<1x1x128x128xf32, #tpu.memory_space<vmem>> -> memref<128x128xf32, #tpu.memory_space<vmem>>
      %dma_wait3A_541 = arith.constant 0 : i32
      %dma_wait3A_542 = tpu.memref_slice %arg5[%dma_wait3A_532, %dma_wait3A_533, %dma_wait3A_541] : memref<2x2x128xi32, #tpu.memory_space<vmem>> -> memref<1x1x128xi32, #tpu.memory_space<vmem>>
      %dma_wait3A_543 = tpu.memref_squeeze %dma_wait3A_542 : memref<1x1x128xi32, #tpu.memory_space<vmem>> -> memref<128xi32, #tpu.memory_space<vmem>>
      %dma_wait3A_544 = arith.constant 0 : i32
      %dma_wait3A_545 = arith.constant 0 : i32
      %dma_wait3A_546 = tpu.memref_slice %arg2[%dma_wait3A_544, %dma_wait3A_545] : memref<100000x128xf32, #tpu.memory_space<hbm>> -> memref<100000x128xf32, #tpu.memory_space<hbm>>
      %dma_wait3A_547 = tpu.memref_slice %arg7[%dma_wait3A_536] : memref<2x!tpu.dma_semaphore, #tpu.memory_space<semaphore_mem>> -> memref<1x!tpu.dma_semaphore, #tpu.memory_space<semaphore_mem>>
      %dma_wait3A_548 = tpu.memref_squeeze %dma_wait3A_547 : memref<1x!tpu.dma_semaphore, #tpu.memory_space<semaphore_mem>> -> memref<!tpu.dma_semaphore, #tpu.memory_space<semaphore_mem>>
      tpu.wait_indirect_dma semaphore(%dma_wait3A_548 : memref<!tpu.dma_semaphore, #tpu.memory_space<semaphore_mem>>) src(%dma_wait3A_546 : memref<100000x128xf32, #tpu.memory_space<hbm>>) dst(%dma_wait3A_540 : memref<128x128xf32, #tpu.memory_space<vmem>>)
      %add3A_549 = arith.constant 0 : i32
      %add3A_550 = arith.addi %add3A_531, %add3A_549 : i32
      %dma_start3A_551 = arith.constant 0 : i32
      %dma_start3A_552 = arith.constant 0 : i32
      %dma_start3A_553 = arith.constant 0 : i32
      %dma_start3A_554 = arith.constant 0 : i32
      %dma_start3A_555 = arith.constant 0 : i32
      %dma_start3A_556 = tpu.memref_slice %arg6[%dma_start3A_551, %dma_start3A_552, %dma_start3A_554, %dma_start3A_555] : memref<2x2x128x128xf32, #tpu.memory_space<vmem>> -> memref<1x1x128x128xf32, #tpu.memory_space<vmem>>
      %dma_start3A_557 = tpu.memref_squeeze %dma_start3A_556 : memref<1x1x128x128xf32, #tpu.memory_space<vmem>> -> memref<128x128xf32, #tpu.memory_space<vmem>>
      %dma_start3A_558 = arith.constant 0 : i32
      %dma_start3A_559 = arith.constant 0 : i32
      %dma_start3A_560 = tpu.memref_slice %arg4[%add3A_550, %dma_start3A_558, %dma_start3A_559] : memref<6400x128x128xf32, #tpu.memory_space<hbm>> -> memref<1x128x128xf32, #tpu.memory_space<hbm>>
      %dma_start3A_561 = tpu.memref_squeeze %dma_start3A_560 : memref<1x128x128xf32, #tpu.memory_space<hbm>> -> memref<128x128xf32, #tpu.memory_space<hbm>>
      %dma_start3A_562 = tpu.memref_slice %arg8[%dma_start3A_553] : memref<2x!tpu.dma_semaphore, #tpu.memory_space<semaphore_mem>> -> memref<1x!tpu.dma_semaphore, #tpu.memory_space<semaphore_mem>>
      %dma_start3A_563 = tpu.memref_squeeze %dma_start3A_562 : memref<1x!tpu.dma_semaphore, #tpu.memory_space<semaphore_mem>> -> memref<!tpu.dma_semaphore, #tpu.memory_space<semaphore_mem>>
      %dma_start3A_564 = arith.constant 0 : i32
      %dma_start3A_565 = arith.constant 0 : i32
      %dma_start3A_566 = tpu.memref_slice %arg4[%add3A_550, %dma_start3A_564, %dma_start3A_565] : memref<6400x128x128xf32, #tpu.memory_space<hbm>> -> memref<1x128x128xf32, #tpu.memory_space<hbm>>
      %dma_start3A_567 = tpu.memref_squeeze %dma_start3A_566 : memref<1x128x128xf32, #tpu.memory_space<hbm>> -> memref<128x128xf32, #tpu.memory_space<hbm>>
      %dma_start3A_568 = arith.constant 0 : i32
      %dma_start3A_569 = arith.constant 0 : i32
      %dma_start3A_570 = tpu.memref_slice %arg6[%dma_start3A_551, %dma_start3A_552, %dma_start3A_568, %dma_start3A_569] : memref<2x2x128x128xf32, #tpu.memory_space<vmem>> -> memref<1x1x128x128xf32, #tpu.memory_space<vmem>>
      %dma_start3A_571 = tpu.memref_squeeze %dma_start3A_570 : memref<1x1x128x128xf32, #tpu.memory_space<vmem>> -> memref<128x128xf32, #tpu.memory_space<vmem>>
      tpu.enqueue_dma source(%dma_start3A_571 : memref<128x128xf32, #tpu.memory_space<vmem>>) target(%dma_start3A_567 : memref<128x128xf32, #tpu.memory_space<hbm>>) target_semaphore(%dma_start3A_563 : memref<!tpu.dma_semaphore, #tpu.memory_space<semaphore_mem>>)
      %dma_wait3A_572 = arith.constant 0 : i32
      %dma_wait3A_573 = arith.constant 1 : i32
      %dma_wait3A_574 = arith.constant 0 : i32
      %dma_wait3A_575 = arith.constant 1 : i32
      %dma_wait3A_576 = arith.constant 0 : i32
      %dma_wait3A_577 = arith.constant 0 : i32
      %dma_wait3A_578 = arith.constant 0 : i32
      %dma_wait3A_579 = tpu.memref_slice %arg6[%dma_wait3A_574, %dma_wait3A_575, %dma_wait3A_577, %dma_wait3A_578] : memref<2x2x128x128xf32, #tpu.memory_space<vmem>> -> memref<1x1x128x128xf32, #tpu.memory_space<vmem>>
      %dma_wait3A_580 = tpu.memref_squeeze %dma_wait3A_579 : memref<1x1x128x128xf32, #tpu.memory_space<vmem>> -> memref<128x128xf32, #tpu.memory_space<vmem>>
      %dma_wait3A_581 = arith.constant 0 : i32
      %dma_wait3A_582 = tpu.memref_slice %arg5[%dma_wait3A_572, %dma_wait3A_573, %dma_wait3A_581] : memref<2x2x128xi32, #tpu.memory_space<vmem>> -> memref<1x1x128xi32, #tpu.memory_space<vmem>>
      %dma_wait3A_583 = tpu.memref_squeeze %dma_wait3A_582 : memref<1x1x128xi32, #tpu.memory_space<vmem>> -> memref<128xi32, #tpu.memory_space<vmem>>
      %dma_wait3A_584 = arith.constant 0 : i32
      %dma_wait3A_585 = arith.constant 0 : i32
      %dma_wait3A_586 = tpu.memref_slice %arg2[%dma_wait3A_584, %dma_wait3A_585] : memref<100000x128xf32, #tpu.memory_space<hbm>> -> memref<100000x128xf32, #tpu.memory_space<hbm>>
      %dma_wait3A_587 = tpu.memref_slice %arg7[%dma_wait3A_576] : memref<2x!tpu.dma_semaphore, #tpu.memory_space<semaphore_mem>> -> memref<1x!tpu.dma_semaphore, #tpu.memory_space<semaphore_mem>>
      %dma_wait3A_588 = tpu.memref_squeeze %dma_wait3A_587 : memref<1x!tpu.dma_semaphore, #tpu.memory_space<semaphore_mem>> -> memref<!tpu.dma_semaphore, #tpu.memory_space<semaphore_mem>>
      tpu.wait_indirect_dma semaphore(%dma_wait3A_588 : memref<!tpu.dma_semaphore, #tpu.memory_space<semaphore_mem>>) src(%dma_wait3A_586 : memref<100000x128xf32, #tpu.memory_space<hbm>>) dst(%dma_wait3A_580 : memref<128x128xf32, #tpu.memory_space<vmem>>)
      %add3A_589 = arith.constant 1 : i32
      %add3A_590 = arith.addi %add3A_531, %add3A_589 : i32
      %dma_start3A_591 = arith.constant 0 : i32
      %dma_start3A_592 = arith.constant 1 : i32
      %dma_start3A_593 = arith.constant 0 : i32
      %dma_start3A_594 = arith.constant 0 : i32
      %dma_start3A_595 = arith.constant 0 : i32
      %dma_start3A_596 = tpu.memref_slice %arg6[%dma_start3A_591, %dma_start3A_592, %dma_start3A_594, %dma_start3A_595] : memref<2x2x128x128xf32, #tpu.memory_space<vmem>> -> memref<1x1x128x128xf32, #tpu.memory_space<vmem>>
      %dma_start3A_597 = tpu.memref_squeeze %dma_start3A_596 : memref<1x1x128x128xf32, #tpu.memory_space<vmem>> -> memref<128x128xf32, #tpu.memory_space<vmem>>
      %dma_start3A_598 = arith.constant 0 : i32
      %dma_start3A_599 = arith.constant 0 : i32
      %dma_start3A_600 = tpu.memref_slice %arg4[%add3A_590, %dma_start3A_598, %dma_start3A_599] : memref<6400x128x128xf32, #tpu.memory_space<hbm>> -> memref<1x128x128xf32, #tpu.memory_space<hbm>>
      %dma_start3A_601 = tpu.memref_squeeze %dma_start3A_600 : memref<1x128x128xf32, #tpu.memory_space<hbm>> -> memref<128x128xf32, #tpu.memory_space<hbm>>
      %dma_start3A_602 = tpu.memref_slice %arg8[%dma_start3A_593] : memref<2x!tpu.dma_semaphore, #tpu.memory_space<semaphore_mem>> -> memref<1x!tpu.dma_semaphore, #tpu.memory_space<semaphore_mem>>
      %dma_start3A_603 = tpu.memref_squeeze %dma_start3A_602 : memref<1x!tpu.dma_semaphore, #tpu.memory_space<semaphore_mem>> -> memref<!tpu.dma_semaphore, #tpu.memory_space<semaphore_mem>>
      %dma_start3A_604 = arith.constant 0 : i32
      %dma_start3A_605 = arith.constant 0 : i32
      %dma_start3A_606 = tpu.memref_slice %arg4[%add3A_590, %dma_start3A_604, %dma_start3A_605] : memref<6400x128x128xf32, #tpu.memory_space<hbm>> -> memref<1x128x128xf32, #tpu.memory_space<hbm>>
      %dma_start3A_607 = tpu.memref_squeeze %dma_start3A_606 : memref<1x128x128xf32, #tpu.memory_space<hbm>> -> memref<128x128xf32, #tpu.memory_space<hbm>>
      %dma_start3A_608 = arith.constant 0 : i32
      %dma_start3A_609 = arith.constant 0 : i32
      %dma_start3A_610 = tpu.memref_slice %arg6[%dma_start3A_591, %dma_start3A_592, %dma_start3A_608, %dma_start3A_609] : memref<2x2x128x128xf32, #tpu.memory_space<vmem>> -> memref<1x1x128x128xf32, #tpu.memory_space<vmem>>
      %dma_start3A_611 = tpu.memref_squeeze %dma_start3A_610 : memref<1x1x128x128xf32, #tpu.memory_space<vmem>> -> memref<128x128xf32, #tpu.memory_space<vmem>>
      tpu.enqueue_dma source(%dma_start3A_611 : memref<128x128xf32, #tpu.memory_space<vmem>>) target(%dma_start3A_607 : memref<128x128xf32, #tpu.memory_space<hbm>>) target_semaphore(%dma_start3A_603 : memref<!tpu.dma_semaphore, #tpu.memory_space<semaphore_mem>>)
      %mul3A_612 = arith.constant 2 : i32
      %mul3A_613 = arith.muli %scan3A_339, %mul3A_612 : i32
      %add3A_614 = arith.constant 1 : i32
      %add3A_615 = arith.addi %mul3A_613, %add3A_614 : i32
      %mul3A_616 = arith.constant 2 : i32
      %mul3A_617 = arith.muli %add3A_615, %mul3A_616 : i32
      %add3A_618 = arith.addi %mul3A_2, %mul3A_617 : i32
      %dma_wait3A_619 = arith.constant 1 : i32
      %dma_wait3A_620 = arith.constant 0 : i32
      %dma_wait3A_621 = arith.constant 1 : i32
      %dma_wait3A_622 = arith.constant 0 : i32
      %dma_wait3A_623 = arith.constant 1 : i32
      %dma_wait3A_624 = arith.constant 0 : i32
      %dma_wait3A_625 = arith.constant 0 : i32
      %dma_wait3A_626 = tpu.memref_slice %arg6[%dma_wait3A_621, %dma_wait3A_622, %dma_wait3A_624, %dma_wait3A_625] : memref<2x2x128x128xf32, #tpu.memory_space<vmem>> -> memref<1x1x128x128xf32, #tpu.memory_space<vmem>>
      %dma_wait3A_627 = tpu.memref_squeeze %dma_wait3A_626 : memref<1x1x128x128xf32, #tpu.memory_space<vmem>> -> memref<128x128xf32, #tpu.memory_space<vmem>>
      %dma_wait3A_628 = arith.constant 0 : i32
      %dma_wait3A_629 = tpu.memref_slice %arg5[%dma_wait3A_619, %dma_wait3A_620, %dma_wait3A_628] : memref<2x2x128xi32, #tpu.memory_space<vmem>> -> memref<1x1x128xi32, #tpu.memory_space<vmem>>
      %dma_wait3A_630 = tpu.memref_squeeze %dma_wait3A_629 : memref<1x1x128xi32, #tpu.memory_space<vmem>> -> memref<128xi32, #tpu.memory_space<vmem>>
      %dma_wait3A_631 = arith.constant 0 : i32
      %dma_wait3A_632 = arith.constant 0 : i32
      %dma_wait3A_633 = tpu.memref_slice %arg2[%dma_wait3A_631, %dma_wait3A_632] : memref<100000x128xf32, #tpu.memory_space<hbm>> -> memref<100000x128xf32, #tpu.memory_space<hbm>>
      %dma_wait3A_634 = tpu.memref_slice %arg7[%dma_wait3A_623] : memref<2x!tpu.dma_semaphore, #tpu.memory_space<semaphore_mem>> -> memref<1x!tpu.dma_semaphore, #tpu.memory_space<semaphore_mem>>
      %dma_wait3A_635 = tpu.memref_squeeze %dma_wait3A_634 : memref<1x!tpu.dma_semaphore, #tpu.memory_space<semaphore_mem>> -> memref<!tpu.dma_semaphore, #tpu.memory_space<semaphore_mem>>
      tpu.wait_indirect_dma semaphore(%dma_wait3A_635 : memref<!tpu.dma_semaphore, #tpu.memory_space<semaphore_mem>>) src(%dma_wait3A_633 : memref<100000x128xf32, #tpu.memory_space<hbm>>) dst(%dma_wait3A_627 : memref<128x128xf32, #tpu.memory_space<vmem>>)
      %add3A_636 = arith.constant 0 : i32
      %add3A_637 = arith.addi %add3A_618, %add3A_636 : i32
      %dma_start3A_638 = arith.constant 1 : i32
      %dma_start3A_639 = arith.constant 0 : i32
      %dma_start3A_640 = arith.constant 1 : i32
      %dma_start3A_641 = arith.constant 0 : i32
      %dma_start3A_642 = arith.constant 0 : i32
      %dma_start3A_643 = tpu.memref_slice %arg6[%dma_start3A_638, %dma_start3A_639, %dma_start3A_641, %dma_start3A_642] : memref<2x2x128x128xf32, #tpu.memory_space<vmem>> -> memref<1x1x128x128xf32, #tpu.memory_space<vmem>>
      %dma_start3A_644 = tpu.memref_squeeze %dma_start3A_643 : memref<1x1x128x128xf32, #tpu.memory_space<vmem>> -> memref<128x128xf32, #tpu.memory_space<vmem>>
      %dma_start3A_645 = arith.constant 0 : i32
      %dma_start3A_646 = arith.constant 0 : i32
      %dma_start3A_647 = tpu.memref_slice %arg4[%add3A_637, %dma_start3A_645, %dma_start3A_646] : memref<6400x128x128xf32, #tpu.memory_space<hbm>> -> memref<1x128x128xf32, #tpu.memory_space<hbm>>
      %dma_start3A_648 = tpu.memref_squeeze %dma_start3A_647 : memref<1x128x128xf32, #tpu.memory_space<hbm>> -> memref<128x128xf32, #tpu.memory_space<hbm>>
      %dma_start3A_649 = tpu.memref_slice %arg8[%dma_start3A_640] : memref<2x!tpu.dma_semaphore, #tpu.memory_space<semaphore_mem>> -> memref<1x!tpu.dma_semaphore, #tpu.memory_space<semaphore_mem>>
      %dma_start3A_650 = tpu.memref_squeeze %dma_start3A_649 : memref<1x!tpu.dma_semaphore, #tpu.memory_space<semaphore_mem>> -> memref<!tpu.dma_semaphore, #tpu.memory_space<semaphore_mem>>
      %dma_start3A_651 = arith.constant 0 : i32
      %dma_start3A_652 = arith.constant 0 : i32
      %dma_start3A_653 = tpu.memref_slice %arg4[%add3A_637, %dma_start3A_651, %dma_start3A_652] : memref<6400x128x128xf32, #tpu.memory_space<hbm>> -> memref<1x128x128xf32, #tpu.memory_space<hbm>>
      %dma_start3A_654 = tpu.memref_squeeze %dma_start3A_653 : memref<1x128x128xf32, #tpu.memory_space<hbm>> -> memref<128x128xf32, #tpu.memory_space<hbm>>
      %dma_start3A_655 = arith.constant 0 : i32
      %dma_start3A_656 = arith.constant 0 : i32
      %dma_start3A_657 = tpu.memref_slice %arg6[%dma_start3A_638, %dma_start3A_639, %dma_start3A_655, %dma_start3A_656] : memref<2x2x128x128xf32, #tpu.memory_space<vmem>> -> memref<1x1x128x128xf32, #tpu.memory_space<vmem>>
      %dma_start3A_658 = tpu.memref_squeeze %dma_start3A_657 : memref<1x1x128x128xf32, #tpu.memory_space<vmem>> -> memref<128x128xf32, #tpu.memory_space<vmem>>
      tpu.enqueue_dma source(%dma_start3A_658 : memref<128x128xf32, #tpu.memory_space<vmem>>) target(%dma_start3A_654 : memref<128x128xf32, #tpu.memory_space<hbm>>) target_semaphore(%dma_start3A_650 : memref<!tpu.dma_semaphore, #tpu.memory_space<semaphore_mem>>)
      %dma_wait3A_659 = arith.constant 1 : i32
      %dma_wait3A_660 = arith.constant 1 : i32
      %dma_wait3A_661 = arith.constant 1 : i32
      %dma_wait3A_662 = arith.constant 1 : i32
      %dma_wait3A_663 = arith.constant 1 : i32
      %dma_wait3A_664 = arith.constant 0 : i32
      %dma_wait3A_665 = arith.constant 0 : i32
      %dma_wait3A_666 = tpu.memref_slice %arg6[%dma_wait3A_661, %dma_wait3A_662, %dma_wait3A_664, %dma_wait3A_665] : memref<2x2x128x128xf32, #tpu.memory_space<vmem>> -> memref<1x1x128x128xf32, #tpu.memory_space<vmem>>
      %dma_wait3A_667 = tpu.memref_squeeze %dma_wait3A_666 : memref<1x1x128x128xf32, #tpu.memory_space<vmem>> -> memref<128x128xf32, #tpu.memory_space<vmem>>
      %dma_wait3A_668 = arith.constant 0 : i32
      %dma_wait3A_669 = tpu.memref_slice %arg5[%dma_wait3A_659, %dma_wait3A_660, %dma_wait3A_668] : memref<2x2x128xi32, #tpu.memory_space<vmem>> -> memref<1x1x128xi32, #tpu.memory_space<vmem>>
      %dma_wait3A_670 = tpu.memref_squeeze %dma_wait3A_669 : memref<1x1x128xi32, #tpu.memory_space<vmem>> -> memref<128xi32, #tpu.memory_space<vmem>>
      %dma_wait3A_671 = arith.constant 0 : i32
      %dma_wait3A_672 = arith.constant 0 : i32
      %dma_wait3A_673 = tpu.memref_slice %arg2[%dma_wait3A_671, %dma_wait3A_672] : memref<100000x128xf32, #tpu.memory_space<hbm>> -> memref<100000x128xf32, #tpu.memory_space<hbm>>
      %dma_wait3A_674 = tpu.memref_slice %arg7[%dma_wait3A_663] : memref<2x!tpu.dma_semaphore, #tpu.memory_space<semaphore_mem>> -> memref<1x!tpu.dma_semaphore, #tpu.memory_space<semaphore_mem>>
      %dma_wait3A_675 = tpu.memref_squeeze %dma_wait3A_674 : memref<1x!tpu.dma_semaphore, #tpu.memory_space<semaphore_mem>> -> memref<!tpu.dma_semaphore, #tpu.memory_space<semaphore_mem>>
      tpu.wait_indirect_dma semaphore(%dma_wait3A_675 : memref<!tpu.dma_semaphore, #tpu.memory_space<semaphore_mem>>) src(%dma_wait3A_673 : memref<100000x128xf32, #tpu.memory_space<hbm>>) dst(%dma_wait3A_667 : memref<128x128xf32, #tpu.memory_space<vmem>>)
      %add3A_676 = arith.constant 1 : i32
      %add3A_677 = arith.addi %add3A_618, %add3A_676 : i32
      %dma_start3A_678 = arith.constant 1 : i32
      %dma_start3A_679 = arith.constant 1 : i32
      %dma_start3A_680 = arith.constant 1 : i32
      %dma_start3A_681 = arith.constant 0 : i32
      %dma_start3A_682 = arith.constant 0 : i32
      %dma_start3A_683 = tpu.memref_slice %arg6[%dma_start3A_678, %dma_start3A_679, %dma_start3A_681, %dma_start3A_682] : memref<2x2x128x128xf32, #tpu.memory_space<vmem>> -> memref<1x1x128x128xf32, #tpu.memory_space<vmem>>
      %dma_start3A_684 = tpu.memref_squeeze %dma_start3A_683 : memref<1x1x128x128xf32, #tpu.memory_space<vmem>> -> memref<128x128xf32, #tpu.memory_space<vmem>>
      %dma_start3A_685 = arith.constant 0 : i32
      %dma_start3A_686 = arith.constant 0 : i32
      %dma_start3A_687 = tpu.memref_slice %arg4[%add3A_677, %dma_start3A_685, %dma_start3A_686] : memref<6400x128x128xf32, #tpu.memory_space<hbm>> -> memref<1x128x128xf32, #tpu.memory_space<hbm>>
      %dma_start3A_688 = tpu.memref_squeeze %dma_start3A_687 : memref<1x128x128xf32, #tpu.memory_space<hbm>> -> memref<128x128xf32, #tpu.memory_space<hbm>>
      %dma_start3A_689 = tpu.memref_slice %arg8[%dma_start3A_680] : memref<2x!tpu.dma_semaphore, #tpu.memory_space<semaphore_mem>> -> memref<1x!tpu.dma_semaphore, #tpu.memory_space<semaphore_mem>>
      %dma_start3A_690 = tpu.memref_squeeze %dma_start3A_689 : memref<1x!tpu.dma_semaphore, #tpu.memory_space<semaphore_mem>> -> memref<!tpu.dma_semaphore, #tpu.memory_space<semaphore_mem>>
      %dma_start3A_691 = arith.constant 0 : i32
      %dma_start3A_692 = arith.constant 0 : i32
      %dma_start3A_693 = tpu.memref_slice %arg4[%add3A_677, %dma_start3A_691, %dma_start3A_692] : memref<6400x128x128xf32, #tpu.memory_space<hbm>> -> memref<1x128x128xf32, #tpu.memory_space<hbm>>
      %dma_start3A_694 = tpu.memref_squeeze %dma_start3A_693 : memref<1x128x128xf32, #tpu.memory_space<hbm>> -> memref<128x128xf32, #tpu.memory_space<hbm>>
      %dma_start3A_695 = arith.constant 0 : i32
      %dma_start3A_696 = arith.constant 0 : i32
      %dma_start3A_697 = tpu.memref_slice %arg6[%dma_start3A_678, %dma_start3A_679, %dma_start3A_695, %dma_start3A_696] : memref<2x2x128x128xf32, #tpu.memory_space<vmem>> -> memref<1x1x128x128xf32, #tpu.memory_space<vmem>>
      %dma_start3A_698 = tpu.memref_squeeze %dma_start3A_697 : memref<1x1x128x128xf32, #tpu.memory_space<vmem>> -> memref<128x128xf32, #tpu.memory_space<vmem>>
      tpu.enqueue_dma source(%dma_start3A_698 : memref<128x128xf32, #tpu.memory_space<vmem>>) target(%dma_start3A_694 : memref<128x128xf32, #tpu.memory_space<hbm>>) target_semaphore(%dma_start3A_690 : memref<!tpu.dma_semaphore, #tpu.memory_space<semaphore_mem>>)
    }
    %scan3A_242 = arith.constant 49 : i32
    %add3A_243 = arith.constant 196 : i32
    %add3A_244 = arith.addi %mul3A_2, %add3A_243 : i32
    %add3A_245 = arith.constant 0 : i32
    %add3A_246 = arith.addi %add3A_244, %add3A_245 : i32
    %dma_wait3A_247 = arith.constant 0 : i32
    %dma_wait3A_248 = arith.constant 0 : i32
    %dma_wait3A_249 = arith.constant 0 : i32
    %dma_wait3A_250 = arith.constant 0 : i32
    %dma_wait3A_251 = arith.constant 0 : i32
    %dma_wait3A_252 = tpu.memref_slice %arg6[%dma_wait3A_247, %dma_wait3A_248, %dma_wait3A_250, %dma_wait3A_251] : memref<2x2x128x128xf32, #tpu.memory_space<vmem>> -> memref<1x1x128x128xf32, #tpu.memory_space<vmem>>
    %dma_wait3A_253 = tpu.memref_squeeze %dma_wait3A_252 : memref<1x1x128x128xf32, #tpu.memory_space<vmem>> -> memref<128x128xf32, #tpu.memory_space<vmem>>
    %dma_wait3A_254 = arith.constant 0 : i32
    %dma_wait3A_255 = arith.constant 0 : i32
    %dma_wait3A_256 = tpu.memref_slice %arg4[%add3A_246, %dma_wait3A_254, %dma_wait3A_255] : memref<6400x128x128xf32, #tpu.memory_space<hbm>> -> memref<1x128x128xf32, #tpu.memory_space<hbm>>
    %dma_wait3A_257 = tpu.memref_squeeze %dma_wait3A_256 : memref<1x128x128xf32, #tpu.memory_space<hbm>> -> memref<128x128xf32, #tpu.memory_space<hbm>>
    %dma_wait3A_258 = tpu.memref_slice %arg8[%dma_wait3A_249] : memref<2x!tpu.dma_semaphore, #tpu.memory_space<semaphore_mem>> -> memref<1x!tpu.dma_semaphore, #tpu.memory_space<semaphore_mem>>
    %dma_wait3A_259 = tpu.memref_squeeze %dma_wait3A_258 : memref<1x!tpu.dma_semaphore, #tpu.memory_space<semaphore_mem>> -> memref<!tpu.dma_semaphore, #tpu.memory_space<semaphore_mem>>
    %dma_wait3A_260 = arith.constant 0 : i32
    %dma_wait3A_261 = arith.constant 0 : i32
    %dma_wait3A_262 = tpu.memref_slice %arg4[%add3A_246, %dma_wait3A_260, %dma_wait3A_261] : memref<6400x128x128xf32, #tpu.memory_space<hbm>> -> memref<1x128x128xf32, #tpu.memory_space<hbm>>
    %dma_wait3A_263 = tpu.memref_squeeze %dma_wait3A_262 : memref<1x128x128xf32, #tpu.memory_space<hbm>> -> memref<128x128xf32, #tpu.memory_space<hbm>>
    %dma_wait3A_264 = arith.constant 0 : i32
    %dma_wait3A_265 = arith.constant 0 : i32
    %dma_wait3A_266 = tpu.memref_slice %arg6[%dma_wait3A_247, %dma_wait3A_248, %dma_wait3A_264, %dma_wait3A_265] : memref<2x2x128x128xf32, #tpu.memory_space<vmem>> -> memref<1x1x128x128xf32, #tpu.memory_space<vmem>>
    %dma_wait3A_267 = tpu.memref_squeeze %dma_wait3A_266 : memref<1x1x128x128xf32, #tpu.memory_space<vmem>> -> memref<128x128xf32, #tpu.memory_space<vmem>>
    tpu.wait_dma2 semaphore(%dma_wait3A_259 : memref<!tpu.dma_semaphore, #tpu.memory_space<semaphore_mem>>) src(%dma_wait3A_267 : memref<128x128xf32, #tpu.memory_space<vmem>>) dst(%dma_wait3A_263 : memref<128x128xf32, #tpu.memory_space<hbm>>)
    %add3A_268 = arith.constant 1 : i32
    %add3A_269 = arith.addi %add3A_244, %add3A_268 : i32
    %dma_wait3A_270 = arith.constant 0 : i32
    %dma_wait3A_271 = arith.constant 1 : i32
    %dma_wait3A_272 = arith.constant 0 : i32
    %dma_wait3A_273 = arith.constant 0 : i32
    %dma_wait3A_274 = arith.constant 0 : i32
    %dma_wait3A_275 = tpu.memref_slice %arg6[%dma_wait3A_270, %dma_wait3A_271, %dma_wait3A_273, %dma_wait3A_274] : memref<2x2x128x128xf32, #tpu.memory_space<vmem>> -> memref<1x1x128x128xf32, #tpu.memory_space<vmem>>
    %dma_wait3A_276 = tpu.memref_squeeze %dma_wait3A_275 : memref<1x1x128x128xf32, #tpu.memory_space<vmem>> -> memref<128x128xf32, #tpu.memory_space<vmem>>
    %dma_wait3A_277 = arith.constant 0 : i32
    %dma_wait3A_278 = arith.constant 0 : i32
    %dma_wait3A_279 = tpu.memref_slice %arg4[%add3A_269, %dma_wait3A_277, %dma_wait3A_278] : memref<6400x128x128xf32, #tpu.memory_space<hbm>> -> memref<1x128x128xf32, #tpu.memory_space<hbm>>
    %dma_wait3A_280 = tpu.memref_squeeze %dma_wait3A_279 : memref<1x128x128xf32, #tpu.memory_space<hbm>> -> memref<128x128xf32, #tpu.memory_space<hbm>>
    %dma_wait3A_281 = tpu.memref_slice %arg8[%dma_wait3A_272] : memref<2x!tpu.dma_semaphore, #tpu.memory_space<semaphore_mem>> -> memref<1x!tpu.dma_semaphore, #tpu.memory_space<semaphore_mem>>
    %dma_wait3A_282 = tpu.memref_squeeze %dma_wait3A_281 : memref<1x!tpu.dma_semaphore, #tpu.memory_space<semaphore_mem>> -> memref<!tpu.dma_semaphore, #tpu.memory_space<semaphore_mem>>
    %dma_wait3A_283 = arith.constant 0 : i32
    %dma_wait3A_284 = arith.constant 0 : i32
    %dma_wait3A_285 = tpu.memref_slice %arg4[%add3A_269, %dma_wait3A_283, %dma_wait3A_284] : memref<6400x128x128xf32, #tpu.memory_space<hbm>> -> memref<1x128x128xf32, #tpu.memory_space<hbm>>
    %dma_wait3A_286 = tpu.memref_squeeze %dma_wait3A_285 : memref<1x128x128xf32, #tpu.memory_space<hbm>> -> memref<128x128xf32, #tpu.memory_space<hbm>>
    %dma_wait3A_287 = arith.constant 0 : i32
    %dma_wait3A_288 = arith.constant 0 : i32
    %dma_wait3A_289 = tpu.memref_slice %arg6[%dma_wait3A_270, %dma_wait3A_271, %dma_wait3A_287, %dma_wait3A_288] : memref<2x2x128x128xf32, #tpu.memory_space<vmem>> -> memref<1x1x128x128xf32, #tpu.memory_space<vmem>>
    %dma_wait3A_290 = tpu.memref_squeeze %dma_wait3A_289 : memref<1x1x128x128xf32, #tpu.memory_space<vmem>> -> memref<128x128xf32, #tpu.memory_space<vmem>>
    tpu.wait_dma2 semaphore(%dma_wait3A_282 : memref<!tpu.dma_semaphore, #tpu.memory_space<semaphore_mem>>) src(%dma_wait3A_290 : memref<128x128xf32, #tpu.memory_space<vmem>>) dst(%dma_wait3A_286 : memref<128x128xf32, #tpu.memory_space<hbm>>)
    %add3A_291 = arith.constant 198 : i32
    %add3A_292 = arith.addi %mul3A_2, %add3A_291 : i32
    %add3A_293 = arith.constant 0 : i32
    %add3A_294 = arith.addi %add3A_292, %add3A_293 : i32
    %dma_wait3A_295 = arith.constant 1 : i32
    %dma_wait3A_296 = arith.constant 0 : i32
    %dma_wait3A_297 = arith.constant 1 : i32
    %dma_wait3A_298 = arith.constant 0 : i32
    %dma_wait3A_299 = arith.constant 0 : i32
    %dma_wait3A_300 = tpu.memref_slice %arg6[%dma_wait3A_295, %dma_wait3A_296, %dma_wait3A_298, %dma_wait3A_299] : memref<2x2x128x128xf32, #tpu.memory_space<vmem>> -> memref<1x1x128x128xf32, #tpu.memory_space<vmem>>
    %dma_wait3A_301 = tpu.memref_squeeze %dma_wait3A_300 : memref<1x1x128x128xf32, #tpu.memory_space<vmem>> -> memref<128x128xf32, #tpu.memory_space<vmem>>
    %dma_wait3A_302 = arith.constant 0 : i32
    %dma_wait3A_303 = arith.constant 0 : i32
    %dma_wait3A_304 = tpu.memref_slice %arg4[%add3A_294, %dma_wait3A_302, %dma_wait3A_303] : memref<6400x128x128xf32, #tpu.memory_space<hbm>> -> memref<1x128x128xf32, #tpu.memory_space<hbm>>
    %dma_wait3A_305 = tpu.memref_squeeze %dma_wait3A_304 : memref<1x128x128xf32, #tpu.memory_space<hbm>> -> memref<128x128xf32, #tpu.memory_space<hbm>>
    %dma_wait3A_306 = tpu.memref_slice %arg8[%dma_wait3A_297] : memref<2x!tpu.dma_semaphore, #tpu.memory_space<semaphore_mem>> -> memref<1x!tpu.dma_semaphore, #tpu.memory_space<semaphore_mem>>
    %dma_wait3A_307 = tpu.memref_squeeze %dma_wait3A_306 : memref<1x!tpu.dma_semaphore, #tpu.memory_space<semaphore_mem>> -> memref<!tpu.dma_semaphore, #tpu.memory_space<semaphore_mem>>
    %dma_wait3A_308 = arith.constant 0 : i32
    %dma_wait3A_309 = arith.constant 0 : i32
    %dma_wait3A_310 = tpu.memref_slice %arg4[%add3A_294, %dma_wait3A_308, %dma_wait3A_309] : memref<6400x128x128xf32, #tpu.memory_space<hbm>> -> memref<1x128x128xf32, #tpu.memory_space<hbm>>
    %dma_wait3A_311 = tpu.memref_squeeze %dma_wait3A_310 : memref<1x128x128xf32, #tpu.memory_space<hbm>> -> memref<128x128xf32, #tpu.memory_space<hbm>>
    %dma_wait3A_312 = arith.constant 0 : i32
    %dma_wait3A_313 = arith.constant 0 : i32
    %dma_wait3A_314 = tpu.memref_slice %arg6[%dma_wait3A_295, %dma_wait3A_296, %dma_wait3A_312, %dma_wait3A_313] : memref<2x2x128x128xf32, #tpu.memory_space<vmem>> -> memref<1x1x128x128xf32, #tpu.memory_space<vmem>>
    %dma_wait3A_315 = tpu.memref_squeeze %dma_wait3A_314 : memref<1x1x128x128xf32, #tpu.memory_space<vmem>> -> memref<128x128xf32, #tpu.memory_space<vmem>>
    tpu.wait_dma2 semaphore(%dma_wait3A_307 : memref<!tpu.dma_semaphore, #tpu.memory_space<semaphore_mem>>) src(%dma_wait3A_315 : memref<128x128xf32, #tpu.memory_space<vmem>>) dst(%dma_wait3A_311 : memref<128x128xf32, #tpu.memory_space<hbm>>)
    %add3A_316 = arith.constant 1 : i32
    %add3A_317 = arith.addi %add3A_292, %add3A_316 : i32
    %dma_wait3A_318 = arith.constant 1 : i32
    %dma_wait3A_319 = arith.constant 1 : i32
    %dma_wait3A_320 = arith.constant 1 : i32
    %dma_wait3A_321 = arith.constant 0 : i32
    %dma_wait3A_322 = arith.constant 0 : i32
    %dma_wait3A_323 = tpu.memref_slice %arg6[%dma_wait3A_318, %dma_wait3A_319, %dma_wait3A_321, %dma_wait3A_322] : memref<2x2x128x128xf32, #tpu.memory_space<vmem>> -> memref<1x1x128x128xf32, #tpu.memory_space<vmem>>
    %dma_wait3A_324 = tpu.memref_squeeze %dma_wait3A_323 : memref<1x1x128x128xf32, #tpu.memory_space<vmem>> -> memref<128x128xf32, #tpu.memory_space<vmem>>
    %dma_wait3A_325 = arith.constant 0 : i32
    %dma_wait3A_326 = arith.constant 0 : i32
    %dma_wait3A_327 = tpu.memref_slice %arg4[%add3A_317, %dma_wait3A_325, %dma_wait3A_326] : memref<6400x128x128xf32, #tpu.memory_space<hbm>> -> memref<1x128x128xf32, #tpu.memory_space<hbm>>
    %dma_wait3A_328 = tpu.memref_squeeze %dma_wait3A_327 : memref<1x128x128xf32, #tpu.memory_space<hbm>> -> memref<128x128xf32, #tpu.memory_space<hbm>>
    %dma_wait3A_329 = tpu.memref_slice %arg8[%dma_wait3A_320] : memref<2x!tpu.dma_semaphore, #tpu.memory_space<semaphore_mem>> -> memref<1x!tpu.dma_semaphore, #tpu.memory_space<semaphore_mem>>
    %dma_wait3A_330 = tpu.memref_squeeze %dma_wait3A_329 : memref<1x!tpu.dma_semaphore, #tpu.memory_space<semaphore_mem>> -> memref<!tpu.dma_semaphore, #tpu.memory_space<semaphore_mem>>
    %dma_wait3A_331 = arith.constant 0 : i32
    %dma_wait3A_332 = arith.constant 0 : i32
    %dma_wait3A_333 = tpu.memref_slice %arg4[%add3A_317, %dma_wait3A_331, %dma_wait3A_332] : memref<6400x128x128xf32, #tpu.memory_space<hbm>> -> memref<1x128x128xf32, #tpu.memory_space<hbm>>
    %dma_wait3A_334 = tpu.memref_squeeze %dma_wait3A_333 : memref<1x128x128xf32, #tpu.memory_space<hbm>> -> memref<128x128xf32, #tpu.memory_space<hbm>>
    %dma_wait3A_335 = arith.constant 0 : i32
    %dma_wait3A_336 = arith.constant 0 : i32
    %dma_wait3A_337 = tpu.memref_slice %arg6[%dma_wait3A_318, %dma_wait3A_319, %dma_wait3A_335, %dma_wait3A_336] : memref<2x2x128x128xf32, #tpu.memory_space<vmem>> -> memref<1x1x128x128xf32, #tpu.memory_space<vmem>>
    %dma_wait3A_338 = tpu.memref_squeeze %dma_wait3A_337 : memref<1x1x128x128xf32, #tpu.memory_space<vmem>> -> memref<128x128xf32, #tpu.memory_space<vmem>>
    tpu.wait_dma2 semaphore(%dma_wait3A_330 : memref<!tpu.dma_semaphore, #tpu.memory_space<semaphore_mem>>) src(%dma_wait3A_338 : memref<128x128xf32, #tpu.memory_space<vmem>>) dst(%dma_wait3A_334 : memref<128x128xf32, #tpu.memory_space<hbm>>)
    return
  }
}

</mosaic_0001>

<sc_bundles>
// kernel: kernel.3.cloned.1.call-start
scs
__scs_entry_jumppad:
0x0: {  	(pc) =	sbr.rel $0x88, $3  }
0x1: {  	(tag) =	ssettag $0x0;
	lr =	simm.s32 $0x1  }
0x2: {  	[smem:$0x3F9F] =	sst lr;
	_ =	strace $0xD0000000  }
0x3: {  	_ = 	snop  }
0x4: {  	_ = 	snop  }
0x5: {  	_ = 	snop  }
0x6: {  	_ = 	snop  }
0x7: {  	_ = 	snop  }
__scs_overlays_trampoline_lowered:
0x8: {  	[smem:$0x3FAE] =	sst s0  }
0x9: {  	[smem:$0x3FAF] =	sst s1  }
0xa: {  	[smem:$0x3FB0] =	sst s2  }
0xb: {  	[smem:$0x3FB1] =	sst s3  }
0xc: {  	[smem:$0x3FB2] =	sst s4  }
0xd: {  	[smem:$0x3FB3] =	sst s5  }
0xe: {  	[smem:$0x3FB4] =	sst s6  }
0xf: {  	[smem:$0x3FB5] =	sst s7  }
0x10: {  	[smem:$0x3FB6] =	sst s8  }
0x11: {  	[smem:$0x3FB7] =	sst s9;
	s0 =	simm.s32 @!p0 $0x0  }
0x12: {  	s1 =	sld [smem:$0x3F9D];
	s0 =	simm.s32 @p0 $0x1  }
0x13: {  	[smem:$0x3FB8] =	sst s0;
	s0 =	simm.s32 @!p1 $0x0  }
0x14: {  	s2 =	sld [smem:$0x3F9C];
	s0 =	simm.s32 @p1 $0x1  }
0x15: {  	[smem:$0x3FB9] =	sst s0;
	s0 =	simm.s32 @!p2 $0x0  }
0x16: {  	s3 =	sld [smem:$0x3FDB];
	s0 =	simm.s32 @p2 $0x1  }
0x17: {  	s4 =	simm.s32 $0x1BF5;
	[smem:$0x3FBB] =	sst s0  }
0x18: {  	s0 =	sld [smem:$0x3F9E];
	_ =	swait.ge [sflag:s4], $0x0  }
0x19: {  	s7 =	sld [smem:$0x3F9F]  }
0x1a: {  	s8 =	sadd.s32 $0xFFFFE003, lr  }
0x1b: {  	s9 =	sadd.s32 $0xFFFFFEF7, lr;
	s5 =	simm.s32 $0xFFFFFFFF;
	p2 =	slt.u32 s8, $0xFFFFF086  }
0x1c: {  	p1 =	slt.u32 s9, $0xF7A;
	s5 =	simm.s32 @!p2 $0x0  }
0x1d: {  	s5 =	simm.s32 @p1 $0x1;
	p0 =	seq.s32 s7, s2  }
0x1e: {  	s7 =	smul.u32 @!p0 $0xF7A, s2;
	p2 =	seq.s32 @!p0 s5, $0x0  }
0x1f: {  	s9 =	smul.u32 $0xF7A, s1;
	s8 =	simm.s32 @!p0 $0x1BF5;
	p2 =	por !p2, p0  }
0x20: {  	[sflag:s8] =	ssyncset.s32 @!p0 $0xFFFFF086;
	s6 =	sadd.s32 @!p0 s3, s7;
	s7 =	simm.s32 @!p0 $0x108  }
0x21: {  	s3 =	sadd.s32 s3, s9;
	s6 =	sadd.s32 @!p0 $0x88, s6;
	s7 =	simm.s32 @p2 $0x1082  }
0x22: {  	[simem:s7], [sflag:s8] =	dma.local @!p0 [hbm:s6], $0xF7A  }
0x23: {  	s9 =	sor.u32 $0xD0000000, s2;
	s6 =	simm.s32 $0x108;
	_ =	swait.ge @!p0 [sflag:s8], $0x0  }
0x24: {  	s3 =	sadd.s32 $0x88, s3;
	s6 =	simm.s32 @!p1 $0x1082;
	[sflag:s4] =	ssyncset.s32 $0xFFFFF086  }
0x25: {  	[simem:s6], [sflag:s4] =	dma.local [hbm:s3], $0xF7A  }
0x26: {  	[smem:$0x3F9F] =	sst s1;
	(tag) =	ssettag s2;
	_ =	strace s9  }
0x27: {  	s1 =	sld [smem:$0x3FAF]  }
0x28: {  	s2 =	sld [smem:$0x3FB0]  }
0x29: {  	s4 =	sld [smem:$0x3FB2]  }
0x2a: {  	p0 =	seq.s32 s5, $0x0;
	s5 =	sld [smem:$0x3FB3]  }
0x2b: {  	s6 =	sld [smem:$0x3FB4]  }
0x2c: {  	s7 =	sld [smem:$0x3FB5]  }
0x2d: {  	s3 =	simm.s32 $0x108;
	s8 =	sld [smem:$0x3FB6]  }
0x2e: {  	s3 =	simm.s32 @!p0 $0x1082;
	s9 =	sld [smem:$0x3FB7]  }
0x2f: {  	lr =	sadd.s32 s0, s3;
	s0 =	sld [smem:$0x3FAE]  }
0x30: {  	s3 =	sld [smem:$0x3FB1]  }
0x31: {  	[smem:$0x3FBA] =	sst s10  }
0x32: {  	s10 =	sld [smem:$0x3FB8];
	_ =	sdelay $0x3  }
0x33: {  	p0 =	seq.s32 s10, $0x1;
	s10 =	sld [smem:$0x3FBA];
	_ =	sdelay $0x3  }
0x34: {  	[smem:$0x3FBA] =	sst s10  }
0x35: {  	s10 =	sld [smem:$0x3FB9];
	_ =	sdelay $0x3  }
0x36: {  	p1 =	seq.s32 s10, $0x1;
	s10 =	sld [smem:$0x3FBA];
	_ =	sdelay $0x3  }
0x37: {  	[smem:$0x3FBA] =	sst s10  }
0x38: {  	s10 =	sld [smem:$0x3FBB]  }
0x39: {  	_ = 	snop;
	(pc) =	sbr.ind lr, $3  }
0x3a: {  	_ = 	snop  }
0x3b: {  	_ = 	snop  }
0x3c: {  	p2 =	seq.s32 s10, $0x1;
	s10 =	sld [smem:$0x3FBA]  }
0x3d: {  	_ =	shalt  }
0x3e: {  	_ =	shalt  }
0x3f: {  	_ =	shalt  }
0x40: {  	_ =	shalt  }
0x41: {  	_ =	shalt  }
0x42: {  	_ =	shalt  }
0x43: {  	_ =	shalt  }
0x44: {  	_ =	shalt  }
0x45: {  	_ =	shalt  }
0x46: {  	_ =	shalt  }
0x47: {  	_ =	shalt  }
0x48: {  	_ =	shalt  }
0x49: {  	_ =	shalt  }
0x4a: {  	_ =	shalt  }
0x4b: {  	_ =	shalt  }
0x4c: {  	_ =	shalt  }
0x4d: {  	_ =	shalt  }
0x4e: {  	_ =	shalt  }
0x4f: {  	_ =	shalt  }
0x50: {  	_ =	shalt  }
0x51: {  	_ =	shalt  }
0x52: {  	_ =	shalt  }
0x53: {  	_ =	shalt  }
0x54: {  	_ =	shalt  }
0x55: {  	_ =	shalt  }
0x56: {  	_ =	shalt  }
0x57: {  	_ =	shalt  }
0x58: {  	_ =	shalt  }
0x59: {  	_ =	shalt  }
0x5a: {  	_ =	shalt  }
0x5b: {  	_ =	shalt  }
0x5c: {  	_ =	shalt  }
0x5d: {  	_ =	shalt  }
0x5e: {  	_ =	shalt  }
0x5f: {  	_ =	shalt  }
0x60: {  	_ =	shalt  }
0x61: {  	_ =	shalt  }
0x62: {  	_ =	shalt  }
0x63: {  	_ =	shalt  }
0x64: {  	_ =	shalt  }
0x65: {  	_ =	shalt  }
0x66: {  	_ =	shalt  }
0x67: {  	_ =	shalt  }
0x68: {  	_ =	shalt  }
0x69: {  	_ =	shalt  }
0x6a: {  	_ =	shalt  }
0x6b: {  	_ =	shalt  }
0x6c: {  	_ =	shalt  }
0x6d: {  	_ =	shalt  }
0x6e: {  	_ =	shalt  }
0x6f: {  	_ =	shalt  }
0x70: {  	_ =	shalt  }
0x71: {  	_ =	shalt  }
0x72: {  	_ =	shalt  }
0x73: {  	_ =	shalt  }
0x74: {  	_ =	shalt  }
0x75: {  	_ =	shalt  }
0x76: {  	_ =	shalt  }
0x77: {  	_ =	shalt  }
0x78: {  	_ =	shalt  }
0x79: {  	_ =	shalt  }
0x7a: {  	_ =	shalt  }
0x7b: {  	_ =	shalt  }
0x7c: {  	_ =	shalt  }
0x7d: {  	_ =	shalt  }
0x7e: {  	_ =	shalt  }
0x7f: {  	_ =	shalt  }
0x80: {  	_ =	shalt  }
0x81: {  	_ =	shalt  }
0x82: {  	_ =	shalt  }
0x83: {  	_ =	shalt  }
0x84: {  	_ =	shalt  }
0x85: {  	_ =	shalt  }
0x86: {  	_ =	shalt  }
0x87: {  	_ =	shalt  }
.Lfunc_end0:
.L_simem_size_0:
called_computation_lowered:
.L_overlay_start_0:
0x88: {  	s2 =	sld [smem:$0x3FD9]  }
0x89: {  	s3 =	sld [smem:$0x3FFE];
	_ =	sdelay $0x1  }
0x8a: {  	s1 =	srdreg.scid  }
0x8b: {  	s0 =	sand.u32 $0x1, s1  }
0x8c: {  	s17 =	sshll.u32 s0, $0xA;
	s2 =	sadd.s32 s3, s2  }
0x8d: {  	s2 =	sadd.s32 s2, s17  }
0x8e: {  	[smem:$0x3FC6] =	sst s2  }
0x8f: {  	_ = 	snop  }
0x90: {  	s2 =	sld [smem:$0x3FC8]  }
0x91: {  	s18 =	sld [smem:$0x3FD0];
	(tm) =	ssettm $0x1  }
0x92: {  	s4 =	sld [smem:$0x3FFB];
	_ =	sdelay $0x3  }
0x93: {  	_ =	strace s4  }
0x94: {  	s4 =	sld [smem:$0x3FFC];
	_ =	sdelay $0x3  }
0x95: {  	_ =	strace s4  }
0x96: {  	s4 =	sld [smem:$0x3FFD];
	_ =	sdelay $0x3  }
0x97: {  	_ =	strace s4  }
0x98: {  	_ =	strace $0x8FFFFFFF  }
0x99: {  	s19 =	sld [smem:$0x3FDB];
	_ =	sdelay $0x1  }
0x9a: {  	s5 =	simm.s32 $_scs_section_size  }
0x9b: {  	s6 =	simm.s32 $_size__tile_overlayer_lowered;
	s7 =	simm.s32 $_tile_overlayer_lowered  }
0x9c: {  	s22 =	simm.s32 $0x1BFF;
	s21 =	sshll.u32 s7, $0x1;
	s4 =	sadd.s32 s5, s19  }
0x9d: {  	s8 =	simm.s32 $0x0;
	s20 =	sshll.u32 s6, $0x1;
	s6 =	sadd.s32 s21, s4  }
0x9e: {  	[timem:s8], [sflag:s22] =	dma.local [hbm:s6], s20  }
0x9f: {  	_ =	swait.ge [sflag:s22], s20  }
0xa0: {  	s5 =	ssub.s32 $0x0, s20;
	[sflag:s22] =	ssyncset.done $0x0  }
0xa1: {  	[sflag:s22] =	ssyncadd.s32 s5;
	_ =	sdelay $0x1  }
0xa2: {  	s23 =	simm.s32 $0x1B8B  }
0xa3: {  	_ =	swait.ge [sflag:s23], $0x1  }
0xa4: {  	[sflag:s23] =	ssyncset.done $0x0  }
0xa5: {  	s25 =	simm.s32 $0x1B8E;
	s24 =	sld [smem:$0x3FFE];
	[sflag:s23] =	ssyncadd.s32 $0xFFFFFFFF  }
0xa6: {  	s26 =	simm.s32 $execute0_lowered;
	[smem:$0x3FD2] =	sst s25  }
0xa7: {  	s6 =	sshll.u32 s26, $0x1;
	_ =	strace $0x80000046;
	[dreg:$0x1] =	wrdreg $0xFFFFFFFF  }
0xa8: {  	s28 =	simm.s32 $_size_execute0_lowered;
	s4 =	sadd.s32 s4, s6;
	[dreg:$0x0] =	wrdreg $0x0  }
0xa9: {  	s6 =	sshll.u32 s28, $0x1;
	[dreg:$0x2] =	wrdreg s4  }
0xaa: {  	[dreg:$0x3] =	wrdreg s6  }
0xab: {  	[dreg:$0x4] =	wrdreg $0xC0  }
0xac: {  	_ =	task [dreg:s8], $0x5FFFF  }
0xad: {  	[dreg:$0x1] =	wrdreg $0xFFFFFFFF  }
0xae: {  	[dreg:$0x0] =	wrdreg $0x60  }
0xaf: {  	[dreg:$0x2] =	wrdreg s2  }
0xb0: {  	[dreg:$0x3] =	wrdreg s24  }
0xb1: {  	[dreg:$0x4] =	wrdreg s18  }
0xb2: {  	[dreg:$0x5] =	wrdreg $0x9  }
0xb3: {  	_ =	task.clear_ibuf [dreg:s8], $0x6FFFF;
	_ =	strace $0x90000046  }
0xb4: {  	s29 =	simm.s32 $0x9;
	_ =	strace $0x80000048  }
0xb5: {  	_ =	swait.ge [sflag:s29], $0x1  }
0xb6: {  	[sflag:s29] =	ssyncadd.s32 $0xFFFFFFFF  }
0xb7: {  	_ =	strace $0x90000048  }
0xb8: {  	_ =	sfence  }
0xb9: {  	s30 =	sld [smem:$0x0];
	_ =	sdelay $0x2  }
0xba: {  	s31 =	sshll.u32 s1, $0xD;
	s1 =	sshrl.u32 s1, $0x2  }
0xbb: {  	s3 =	sand.u32 $0x4000, s31;
	s1 =	sadd.s32 s1, s30  }
0xbc: {  	s0 =	sor.u32 s3, s0;
	s1 =	sshll.u32 s1, $0x11  }
0xbd: {  	s0 =	sor.u32 s1, s0  }
0xbe: {  	s0 =	sadd.s32 $0x8F2B, s0  }
0xbf: {  	[sflag:s0] =	ssyncadd.remote.s32 $0x1  }
0xc0: {  	_ =	sfence.sel $0xFFFF  }
0xc1: {  	[dreg:$0x0] =	wrdreg $0xFFFFFFFF;
	(pc) =	sbr.abs _section_cstart, $3  }
0xc2: {  	[dreg:$0x1] =	wrdreg $0xFFFFFFFF  }
0xc3: {  	_ =	task.clear_ibuf [dreg:s8], $0x2FFFF;
	_ =	strace $0x9FFFFFFF  }
0xc4: {  	(tm) =	ssettm $0x7FFFFFFF  }
0xc5: {  	_ =	shalt  }
tec
execute0_lowered:
.L_overlay_start_1:
0x0: {  	(tag) =	ssettag $0x1  }
0x1: {  	s1 =	rddreg [dreg:$0x0]  }
0x2: {  	s4 =	rddreg [dreg:$0x1];
	s2 =	srdreg.scid  }
0x3: {  	s0 =	stileid.u32;
	s8 =	rddreg [dreg:$0x2];
	s3 =	simm.s32 $0x0  }
0x4: {  	s16 =	simm.s32 $0x200;
	s17 =	simm.s32 $0x4200;
	s18 =	simm.s32 $0x100  }
0x5: {  	s19 =	simm.s32 $0x8200;
	s20 =	simm.s32 $0x180;
	s21 =	simm.s32 $0xC200  }
0x6: {  	s22 =	simm.s32 $0x1;
	s23 =	simm.s32 $0x2;
	s24 =	simm.s32 $0x3  }
0x7: {  	s25 =	simm.s32 $0x4;
	s26 =	simm.s32 $0x0;
	s11 =	smul.u32 $0x190, s0  }
0x8: {  	s9 =	sand.u32 $0x1, s2;
	s5 =	sshll.u32 s0, $0x1;
	s31 =	smul.u32 $0x1900, s0  }
0x9: {  	[smem:$0x7FF] =	sst s3;
	s4 =	sadd.s32 $0x400, s4;
	s13 =	smul.u32 $0xC8, s9  }
0xa: {  	s5 =	sor.u32 s9, s5;
	s7 =	ssub.s32 $0x2, s9;
	s15 =	smul.u32 $0xC80, s9  }
0xb: {  	s14 =	sadd.s32 $0x800, s8;
	s6 =	smul.u32 $0xC80, s5;
	s12 =	sshrl.u32 s7, $0x1  }
0xc: {  	_ =	strace $0x80000047;
	s10 =	smul.u32 $0x64000, s5;
	s12 =	ssub.s32 s7, s12  }
0xd: {  	s11 =	sadd.s32 s13, s11;
	s13 =	sadd.s32 s15, s31;
	s15 =	simm.s32 $0x80  }
0xe: {  	s30 =	sadd.s32 s4, s6;
	s7 =	sadd.s32 s8, s10;
	[dreg:$0x4] =	wrdreg s13  }
0xf: {  	s8 =	sadd.s32 s10, s14;
	s11 =	sshll.u32 s11, $0xB;
	[dreg:$0x5] =	wrdreg s30  }
0x10: {  	s2 =	sadd.s32 $0x20, s30;
	s9 =	sadd.s32 $0x1000, s7;
	s10 =	sadd.s32 $0x1800, s7  }
0x11: {  	s14 =	sadd.s32 s11, s14;
	s11 =	smax.u32 s12, $0x1;
	[dreg:$0x6] =	wrdreg s2  }
0x12: {  	s12 =	sadd.s32 $0x3000, s14;
	s13 =	sadd.s32 $0x2000, s14;
	s14 =	simm.s32 $0x5  }
.LBB2_1:
0x13: {  	s0 =	rddreg [dreg:$0x5]  }
0x14: {  	[tilespmem:s3], [sflag:$0x5] =	stream.linear.gather [hbm4b:s0+s3], $0x100, $0x38;
	[tilespmem:$0x10200] =	vst v63  }
0x15: {  	_ =	swait.ge [sflag:s14], $0x100  }
0x16: {  	[sflag:s14] =	ssyncset.done $0x0  }
0x17: {  	[sflag:s14] =	ssyncadd.s32 $0xFFFFFF00  }
0x18: {  	[tilespmem:s16], [sflag:$0x1] =	stream.indirect.gather [hbm4b:s1+s15], $0x80, s3, s15, $0xb8;
	[tilespmem:$0x10200] =	vst v63  }
0x19: {  	_ = 	snop  }
0x1a: {  	[tilespmem:s17], [sflag:$0x1] =	stream.indirect.gather [hbm4b:s1+s15], $0x80, s15, s15, $0xb8;
	[tilespmem:$0x10200] =	vst v63  }
0x1b: {  	s6 =	rddreg [dreg:$0x6]  }
0x1c: {  	[tilespmem:s18], [sflag:$0x5] =	stream.linear.gather [hbm4b:s6+s3], $0x100, $0x38;
	[tilespmem:$0x10200] =	vst v63  }
0x1d: {  	_ =	swait.ge [sflag:s14], $0x100  }
0x1e: {  	[sflag:s14] =	ssyncset.done $0x0  }
0x1f: {  	[sflag:s14] =	ssyncadd.s32 $0xFFFFFF00  }
0x20: {  	[tilespmem:s19], [sflag:$0x2] =	stream.indirect.gather [hbm4b:s1+s15], $0x80, s18, s15, $0xb8;
	[tilespmem:$0x10200] =	vst v63  }
0x21: {  	_ = 	snop  }
0x22: {  	[tilespmem:s21], [sflag:$0x2] =	stream.indirect.gather [hbm4b:s1+s15], $0x80, s20, s15, $0xb8;
	[tilespmem:$0x10200] =	vst v63  }
0x23: {  	_ =	swait.ge [sflag:s22], $0x4000  }
0x24: {  	[sflag:s22] =	ssyncset.done $0x0  }
0x25: {  	[sflag:s22] =	ssyncadd.s32 $0xFFFFC000  }
0x26: {  	[hbm4b:s7+s3] =	stream.linear.scatter [tilespmem:s16], [sflag:$0x3], $0x4000, $0x38;
	[tilespmem:$0x10200] =	vst v63  }
0x27: {  	_ =	swait.ge [sflag:s22], $0x4000  }
0x28: {  	[sflag:s22] =	ssyncset.done $0x0  }
0x29: {  	[sflag:s22] =	ssyncadd.s32 $0xFFFFC000  }
0x2a: {  	[hbm4b:s8+s3] =	stream.linear.scatter [tilespmem:s17], [sflag:$0x3], $0x4000, $0x38;
	[tilespmem:$0x10200] =	vst v63  }
0x2b: {  	_ =	swait.ge [sflag:s23], $0x4000  }
0x2c: {  	[sflag:s23] =	ssyncset.done $0x0  }
0x2d: {  	[sflag:s23] =	ssyncadd.s32 $0xFFFFC000  }
0x2e: {  	[hbm4b:s9+s3] =	stream.linear.scatter [tilespmem:s19], [sflag:$0x4], $0x4000, $0x38;
	[tilespmem:$0x10200] =	vst v63  }
0x2f: {  	_ =	swait.ge [sflag:s23], $0x4000  }
0x30: {  	[sflag:s23] =	ssyncset.done $0x0  }
0x31: {  	[sflag:s23] =	ssyncadd.s32 $0xFFFFC000  }
0x32: {  	[hbm4b:s10+s3] =	stream.linear.scatter [tilespmem:s21], [sflag:$0x4], $0x4000, $0x38;
	[tilespmem:$0x10200] =	vst v63  }
0x33: {  	_ =	swait.ge [sflag:s24], $0x4000  }
0x34: {  	[sflag:s24] =	ssyncset.done $0x0  }
0x35: {  	[sflag:s24] =	ssyncadd.s32 $0xFFFFC000  }
0x36: {  	_ =	swait.ge [sflag:s24], $0x4000  }
0x37: {  	s28 =	rddreg [dreg:$0x4]  }
0x38: {  	s29 =	simm.s32 $0x40;
	s28 =	sadd.s32 $0x60, s28  }
0x39: {  	s29 =	sand.u32 $0x40, s29;
	s30 =	sadd.s32 $0xFFFFFFE0, s28  }
0x3a: {  	s29 =	sadd.s32 s4, s29;
	[sflag:s24] =	ssyncset.done $0x0;
	s30 =	sand.u32 $0xFFFFF80, s30  }
0x3b: {  	[sflag:s24] =	ssyncadd.s32 $0xFFFFC000;
	s29 =	sadd.s32 s30, s29  }
0x3c: {  	[tilespmem:s3], [sflag:$0x5] =	stream.linear.gather [hbm4b:s29+s3], $0x100, $0x38;
	[tilespmem:$0x10200] =	vst v63  }
0x3d: {  	_ =	swait.ge [sflag:s14], $0x100  }
0x3e: {  	[sflag:s14] =	ssyncset.done $0x0  }
0x3f: {  	[sflag:s14] =	ssyncadd.s32 $0xFFFFFF00  }
0x40: {  	[tilespmem:s16], [sflag:$0x1] =	stream.indirect.gather [hbm4b:s1+s15], $0x80, s3, s15, $0xb8;
	[tilespmem:$0x10200] =	vst v63  }
0x41: {  	_ = 	snop  }
0x42: {  	[tilespmem:s17], [sflag:$0x1] =	stream.indirect.gather [hbm4b:s1+s15], $0x80, s15, s15, $0xb8;
	[tilespmem:$0x10200] =	vst v63  }
0x43: {  	_ =	swait.ge [sflag:s25], $0x4000  }
0x44: {  	[sflag:s25] =	ssyncset.done $0x0  }
0x45: {  	s29 =	simm.s32 $0x60;
	[sflag:s25] =	ssyncadd.s32 $0xFFFFC000  }
0x46: {  	s29 =	sand.u32 $0x60, s29;
	_ =	swait.ge [sflag:s25], $0x4000  }
0x47: {  	s28 =	sand.u32 $0xFFFFF80, s28;
	s29 =	sadd.s32 s4, s29;
	[sflag:s25] =	ssyncset.done $0x0  }
0x48: {  	s28 =	sadd.s32 s28, s29;
	[sflag:s25] =	ssyncadd.s32 $0xFFFFC000  }
0x49: {  	[tilespmem:s18], [sflag:$0x5] =	stream.linear.gather [hbm4b:s28+s3], $0x100, $0x38;
	[tilespmem:$0x10200] =	vst v63  }
0x4a: {  	_ =	swait.ge [sflag:s14], $0x100  }
0x4b: {  	[sflag:s14] =	ssyncset.done $0x0  }
0x4c: {  	[sflag:s14] =	ssyncadd.s32 $0xFFFFFF00  }
0x4d: {  	[tilespmem:s19], [sflag:$0x2] =	stream.indirect.gather [hbm4b:s1+s15], $0x80, s18, s15, $0xb8;
	[tilespmem:$0x10200] =	vst v63  }
0x4e: {  	_ = 	snop  }
0x4f: {  	[tilespmem:s21], [sflag:$0x2] =	stream.indirect.gather [hbm4b:s1+s15], $0x80, s20, s15, $0xb8;
	[tilespmem:$0x10200] =	vst v63  }
0x50: {  	_ =	swait.ge [sflag:s22], $0x4000  }
0x51: {  	[sflag:s22] =	ssyncset.done $0x0  }
0x52: {  	s28 =	sadd.s32 $0xFFFFF800, s13;
	[sflag:s22] =	ssyncadd.s32 $0xFFFFC000  }
0x53: {  	[hbm4b:s28+s3] =	stream.linear.scatter [tilespmem:s16], [sflag:$0x3], $0x4000, $0x38;
	[tilespmem:$0x10200] =	vst v63  }
0x54: {  	_ =	swait.ge [sflag:s22], $0x4000  }
0x55: {  	[sflag:s22] =	ssyncset.done $0x0  }
0x56: {  	[sflag:s22] =	ssyncadd.s32 $0xFFFFC000  }
0x57: {  	[hbm4b:s13+s3] =	stream.linear.scatter [tilespmem:s17], [sflag:$0x3], $0x4000, $0x38;
	[tilespmem:$0x10200] =	vst v63  }
0x58: {  	_ =	swait.ge [sflag:s23], $0x4000  }
0x59: {  	[sflag:s23] =	ssyncset.done $0x0  }
0x5a: {  	s28 =	sadd.s32 $0xFFFFF800, s12;
	[sflag:s23] =	ssyncadd.s32 $0xFFFFC000  }
0x5b: {  	[hbm4b:s28+s3] =	stream.linear.scatter [tilespmem:s19], [sflag:$0x4], $0x4000, $0x38;
	[tilespmem:$0x10200] =	vst v63  }
0x5c: {  	_ =	swait.ge [sflag:s23], $0x4000  }
0x5d: {  	s31 =	smov.u32 s12;
	s30 =	sadd.s32 $0x2000, s13;
	[sflag:s23] =	ssyncset.done $0x0  }
0x5e: {  	s29 =	sadd.s32 $0x2000, s12;
	s28 =	simm.s32 $0xA0;
	[sflag:s23] =	ssyncadd.s32 $0xFFFFC000  }
.LBB2_2:
0x5f: {  	[hbm4b:s31+s3] =	stream.linear.scatter [tilespmem:s21], [sflag:$0x4], $0x4000, $0x38;
	[tilespmem:$0x10200] =	vst v63  }
0x60: {  	_ =	swait.ge [sflag:s24], $0x4000  }
0x61: {  	[sflag:s24] =	ssyncset.done $0x0  }
0x62: {  	[sflag:s24] =	ssyncadd.s32 $0xFFFFC000  }
0x63: {  	_ =	swait.ge [sflag:s24], $0x4000  }
0x64: {  	s2 =	smov.u32 s28;
	s0 =	rddreg [dreg:$0x4]  }
0x65: {  	s6 =	sadd.s32 $0xFFFFFFE0, s2;
	s0 =	sadd.s32 s2, s0  }
0x66: {  	s6 =	sand.u32 $0x40, s6;
	s5 =	sadd.s32 $0xFFFFFFE0, s0  }
0x67: {  	s6 =	sadd.s32 s4, s6;
	[sflag:s24] =	ssyncset.done $0x0;
	s5 =	sand.u32 $0xFFFFF80, s5  }
0x68: {  	[sflag:s24] =	ssyncadd.s32 $0xFFFFC000;
	s5 =	sadd.s32 s5, s6  }
0x69: {  	[tilespmem:s3], [sflag:$0x5] =	stream.linear.gather [hbm4b:s5+s3], $0x100, $0x38;
	[tilespmem:$0x10200] =	vst v63  }
0x6a: {  	_ =	swait.ge [sflag:s14], $0x100  }
0x6b: {  	[sflag:s14] =	ssyncset.done $0x0  }
0x6c: {  	[sflag:s14] =	ssyncadd.s32 $0xFFFFFF00  }
0x6d: {  	[tilespmem:s16], [sflag:$0x1] =	stream.indirect.gather [hbm4b:s1+s15], $0x80, s3, s15, $0xb8;
	[tilespmem:$0x10200] =	vst v63  }
0x6e: {  	_ = 	snop  }
0x6f: {  	[tilespmem:s17], [sflag:$0x1] =	stream.indirect.gather [hbm4b:s1+s15], $0x80, s15, s15, $0xb8;
	[tilespmem:$0x10200] =	vst v63  }
0x70: {  	_ =	swait.ge [sflag:s25], $0x4000  }
0x71: {  	[sflag:s25] =	ssyncset.done $0x0  }
0x72: {  	[sflag:s25] =	ssyncadd.s32 $0xFFFFC000  }
0x73: {  	s2 =	sand.u32 $0x60, s2;
	_ =	swait.ge [sflag:s25], $0x4000  }
0x74: {  	s0 =	sand.u32 $0xFFFFF80, s0;
	s2 =	sadd.s32 s4, s2;
	[sflag:s25] =	ssyncset.done $0x0  }
0x75: {  	s0 =	sadd.s32 s0, s2;
	[sflag:s25] =	ssyncadd.s32 $0xFFFFC000  }
0x76: {  	[tilespmem:s18], [sflag:$0x5] =	stream.linear.gather [hbm4b:s0+s3], $0x100, $0x38;
	[tilespmem:$0x10200] =	vst v63  }
0x77: {  	_ =	swait.ge [sflag:s14], $0x100  }
0x78: {  	[sflag:s14] =	ssyncset.done $0x0  }
0x79: {  	[sflag:s14] =	ssyncadd.s32 $0xFFFFFF00  }
0x7a: {  	[tilespmem:s19], [sflag:$0x2] =	stream.indirect.gather [hbm4b:s1+s15], $0x80, s18, s15, $0xb8;
	[tilespmem:$0x10200] =	vst v63  }
0x7b: {  	_ = 	snop  }
0x7c: {  	[tilespmem:s21], [sflag:$0x2] =	stream.indirect.gather [hbm4b:s1+s15], $0x80, s20, s15, $0xb8;
	[tilespmem:$0x10200] =	vst v63  }
0x7d: {  	_ =	swait.ge [sflag:s22], $0x4000  }
0x7e: {  	[sflag:s22] =	ssyncset.done $0x0  }
0x7f: {  	s5 =	sadd.s32 $0xFFFFF800, s30;
	[sflag:s22] =	ssyncadd.s32 $0xFFFFC000  }
0x80: {  	[hbm4b:s5+s3] =	stream.linear.scatter [tilespmem:s16], [sflag:$0x3], $0x4000, $0x38;
	[tilespmem:$0x10200] =	vst v63  }
0x81: {  	_ =	swait.ge [sflag:s22], $0x4000  }
0x82: {  	[sflag:s22] =	ssyncset.done $0x0  }
0x83: {  	[sflag:s22] =	ssyncadd.s32 $0xFFFFC000  }
0x84: {  	[hbm4b:s30+s3] =	stream.linear.scatter [tilespmem:s17], [sflag:$0x3], $0x4000, $0x38;
	[tilespmem:$0x10200] =	vst v63  }
0x85: {  	_ =	swait.ge [sflag:s23], $0x4000  }
0x86: {  	p0 =	sne.s32 s28, $0xC60;
	[sflag:s23] =	ssyncset.done $0x0  }
.Ltmp0:
0x87: {  	s6 =	sadd.s32 $0xFFFFF800, s29;
	[sflag:s23] =	ssyncadd.s32 $0xFFFFC000;
	(pc) =	sbr.rel @p0 .LBB2_2-.Ltmp0, $4  }
0x88: {  	[hbm4b:s6+s3] =	stream.linear.scatter [tilespmem:s19], [sflag:$0x4], $0x4000, $0x38;
	[tilespmem:$0x10200] =	vst v63  }
0x89: {  	_ =	swait.ge [sflag:s23], $0x4000  }
0x8a: {  	s31 =	smov.u32 s29;
	s28 =	sadd.s32 $0x40, s28;
	[sflag:s23] =	ssyncset.done $0x0  }
0x8b: {  	s29 =	sadd.s32 $0x2000, s29;
	s30 =	sadd.s32 $0x2000, s30;
	[sflag:s23] =	ssyncadd.s32 $0xFFFFC000  }
0x8c: {  	[hbm4b:s31+s3] =	stream.linear.scatter [tilespmem:s21], [sflag:$0x4], $0x4000, $0x38;
	[tilespmem:$0x10200] =	vst v63  }
0x8d: {  	_ =	swait.ge [sflag:s24], $0x4000  }
0x8e: {  	[sflag:s24] =	ssyncset.done $0x0  }
0x8f: {  	[sflag:s24] =	ssyncadd.s32 $0xFFFFC000  }
0x90: {  	_ =	swait.ge [sflag:s24], $0x4000  }
0x91: {  	[sflag:s24] =	ssyncset.done $0x0  }
0x92: {  	s26 =	sadd.s32 $0x1, s26;
	[sflag:s24] =	ssyncadd.s32 $0xFFFFC000  }
0x93: {  	p0 =	sne.s32 s26, s11;
	_ =	swait.ge [sflag:s25], $0x4000  }
.Ltmp1:
0x94: {  	[sflag:s25] =	ssyncset.done $0x0;
	(pc) =	sbr.rel @p0 .LBB2_1-.Ltmp1, $4  }
0x95: {  	[sflag:s25] =	ssyncadd.s32 $0xFFFFC000  }
0x96: {  	_ =	swait.ge [sflag:s25], $0x4000  }
0x97: {  	[sflag:s25] =	ssyncset.done $0x0  }
0x98: {  	[sflag:s25] =	ssyncadd.s32 $0xFFFFC000  }
0x99: {  	_ =	sfence.sel $0x180000  }
0x9a: {  	[bflag:$0x0] =	sbarrier.arrive $0xFFFF  }
0x9b: {  	_ =	strace $0x90000047  }
0x9c: {  	s0 =	stileid.u32;
	[bflag:$0x2] =	sbarrier.arrive $0xFFFF  }
0x9d: {  	p0 =	sne.s32 s0, $0x0;
	s0 =	rddreg [dreg:$0x3]  }
0x9e: {  	s0 =	sadd.s32 @!p0 $0x100000, s0  }
0x9f: {  	[sflag:s0] =	ssyncadd.tile.s32 @!p0 $0x1;
	_ =	shalt  }
.Lfunc_end2:
_tile_overlayer_lowered:
.L_overlay_start_2:
0xa0: {  	(tag) =	ssettag $0x2  }
0xa1: {  	s0 =	rddreg [dreg:$0x0];
	s2 =	stileid.u32  }
0xa2: {  	s1 =	rddreg [dreg:$0x1];
	p0 =	sne.s32 s2, $0x0  }
0xa3: {  	s3 =	rddreg [dreg:$0x2];
	[bflag:$0x3] =	sbarrier.arrive $0xFFFF;
	s2 =	simm.s32 @!p0 $0x1C05  }
0xa4: {  	[timem:s3], [sflag:s2] =	dma.local @!p0 [hbm:s0], s1  }
0xa5: {  	s0 =	simm.s32 @!p0 $0x5  }
0xa6: {  	_ =	swait.ge @!p0 [sflag:s0], s1  }
0xa7: {  	s1 =	ssub.s32 @!p0 $0x0, s1;
	[sflag:s0] =	ssyncset.done @!p0 $0x0  }
0xa8: {  	[sflag:s0] =	ssyncadd.s32 @!p0 s1  }
0xa9: {  	[bflag:$0x3] =	sbarrier.arrive $0xFFFF  }
0xaa: {  	_ =	shalt  }

</sc_bundles>
